<compile_context>
chip_gen: v7x
topology: tpu7x:2x2x1
jax: 0.10.2.dev20260603
libtpu: 0.0.44.dev20260713+nightly
codegen_flags: <defaults>
</compile_context>

<pallas_src>
import functools

import jax
import jax.numpy as jnp
from jax import lax
from jax.experimental import pallas as pl
from jax.experimental.pallas import tpu as pltpu
from jax.experimental.pallas import tpu_sc as plsc

N = 5000
MAX_OUT = 100
IOU_THRESH = 0.5
NTILES = 16
NPAD = 5120
PER_TILE = NPAD // NTILES
CHUNKS = PER_TILE // 16
NEG_INF = float("-inf")
BIG = 3.0e38


def _nms_body(bt_hbm, sp_hbm, out_hbm,
              cx1, cy1, cx2, cy2, areas, ms, stage, comb, outv, shared):
    tid = lax.axis_index("s")
    base = tid * PER_TILE

    pltpu.sync_copy(bt_hbm.at[0], cx1)
    pltpu.sync_copy(bt_hbm.at[1], cy1)
    pltpu.sync_copy(bt_hbm.at[2], cx2)
    pltpu.sync_copy(bt_hbm.at[3], cy2)
    pltpu.sync_copy(sp_hbm.at[pl.ds(base, PER_TILE)], ms)

    for j in range(CHUNKS):
        goff = base + j * 16
        a = (cx2[pl.ds(goff, 16)] - cx1[pl.ds(goff, 16)]) * (
            cy2[pl.ds(goff, 16)] - cy1[pl.ds(goff, 16)])
        areas[pl.ds(j * 16, 16)] = a

    li = lax.iota(jnp.int32, 16)
    lif = li.astype(jnp.float32)
    basef = base.astype(jnp.float32)

    def step(s, carry):
        ipf, b0, b1, b2, b3 = carry
        ai = (b2 - b0) * (b3 - b1)

        bestm = jnp.full((16,), NEG_INF, jnp.float32)
        besti = jnp.zeros((16,), jnp.float32)
        for j in range(CHUNKS):
            off = j * 16
            goff = base + off
            v = ms[pl.ds(off, 16)]
            c1 = cx1[pl.ds(goff, 16)]
            c2 = cy1[pl.ds(goff, 16)]
            c3 = cx2[pl.ds(goff, 16)]
            c4 = cy2[pl.ds(goff, 16)]
            ar = areas[pl.ds(off, 16)]
            xx1 = jnp.maximum(b0, c1)
            yy1 = jnp.maximum(b1, c2)
            xx2 = jnp.minimum(b2, c3)
            yy2 = jnp.minimum(b3, c4)
            inter = jnp.maximum(xx2 - xx1, 0.0) * jnp.maximum(yy2 - yy1, 0.0)
            iou = inter / (ai + ar - inter + jnp.float32(1e-8))
            idxv = lif + (basef + jnp.float32(off))
            keep = (iou <= IOU_THRESH) & (idxv != ipf)
            v2 = jnp.where(keep, v, NEG_INF)
            ms[pl.ds(off, 16)] = v2
            better = v2 > bestm
            bestm = jnp.where(better, v2, bestm)
            besti = jnp.where(better, idxv, besti)

        mloc = jnp.max(bestm)
        iloc = jnp.min(jnp.where(bestm == mloc, besti, BIG))

        stage[pl.ds(0, 16)] = jnp.where(li == tid, mloc, NEG_INF)
        stage[pl.ds(16, 16)] = jnp.where(li == tid, iloc, 0.0)
        p = lax.rem(s, 2)
        pltpu.sync_copy(stage, shared.at[pl.ds(p * 512 + tid * 32, 32)])
        plsc.subcore_barrier()
        pltpu.sync_copy(shared.at[pl.ds(p * 512, 512)], comb)

        mvec = jnp.full((16,), NEG_INF, jnp.float32)
        ivec = jnp.zeros((16,), jnp.float32)
        for t in range(NTILES):
            mvec = jnp.maximum(mvec, comb[pl.ds(t * 32, 16)])
            ivec = jnp.maximum(ivec, comb[pl.ds(t * 32 + 16, 16)])
        mg = jnp.max(mvec)
        ig = jnp.min(jnp.where(mvec == mg, ivec, BIG))

        valid = mg > -BIG
        vf = valid.astype(jnp.float32)
        igv = jnp.full((16,), ig, jnp.float32)
        iiv = igv.astype(jnp.int32)
        nb0 = plsc.load_gather(cx1, [iiv])
        nb1 = plsc.load_gather(cy1, [iiv])
        nb2 = plsc.load_gather(cx2, [iiv])
        nb3 = plsc.load_gather(cy2, [iiv])
        sc = mg * vf

        row = jnp.where(li == 0, nb0 * vf,
              jnp.where(li == 1, nb1 * vf,
              jnp.where(li == 2, nb2 * vf,
              jnp.where(li == 3, nb3 * vf,
              jnp.where(li == 5, sc, 0.0)))))
        outv[pl.ds(s * 16, 16)] = row

        return (igv, nb0, nb1, nb2, nb3)

    zv = jnp.zeros((16,), jnp.float32)
    init = (jnp.full((16,), -1.0, jnp.float32), zv, zv, zv, zv)
    lax.fori_loop(0, MAX_OUT, step, init)

    @pl.when(tid == 0)
    def _():
        pltpu.sync_copy(outv, out_hbm)


@jax.jit
def kernel(boxes, scores):
    bt = jnp.zeros((4, NPAD), jnp.float32).at[:, :N].set(boxes.T)
    sp = jnp.full((NPAD,), NEG_INF, jnp.float32).at[:N].set(scores)

    mesh = plsc.VectorSubcoreMesh(
        core_axis_name="c", subcore_axis_name="s",
        num_cores=1, num_subcores=NTILES)
    out = pl.kernel(
        _nms_body,
        out_type=jax.ShapeDtypeStruct((MAX_OUT * 16,), jnp.float32),
        mesh=mesh,
        compiler_params=pltpu.CompilerParams(needs_layout_passes=False),
        scratch_types=[
            pltpu.VMEM((NPAD,), jnp.float32),
            pltpu.VMEM((NPAD,), jnp.float32),
            pltpu.VMEM((NPAD,), jnp.float32),
            pltpu.VMEM((NPAD,), jnp.float32),
            pltpu.VMEM((PER_TILE,), jnp.float32),
            pltpu.VMEM((PER_TILE,), jnp.float32),
            pltpu.VMEM((32,), jnp.float32),
            pltpu.VMEM((512,), jnp.float32),
            pltpu.VMEM((MAX_OUT * 16,), jnp.float32),
            pltpu.VMEM_SHARED((1024,), jnp.float32),
        ],
    )(bt, sp)

    rows = out.reshape(MAX_OUT, 16)
    return rows[:, :6][None, :, :]

# --- scband reference (transcript-rebuilt; emitter-appended) ---
"""Pipeline reference for scband-model-29360396436014 (READ-ONLY COPY).

The authoritative reference and input builder live on the scoring server;
editing this copy changes nothing except your own understanding.
"""

import jax, jax.numpy as jnp
import numpy as np

N = 5000
MAX_OUT = 100
IOU_THRESH = 0.5


def setup_inputs(seed: int = 0) -> dict:
    key = jax.random.key(seed)
    k1, k2 = jax.random.split(key)
    raw = jax.random.uniform(k1, (N, 4), dtype=jnp.float32) * 320.0
    xy1 = jnp.minimum(raw[:, :2], raw[:, 2:])
    xy2 = jnp.maximum(raw[:, :2], raw[:, 2:]) + 1.0
    boxes = jnp.concatenate([xy1, xy2], axis=1)
    scores = jax.random.uniform(k2, (N,), dtype=jnp.float32)
    return {"boxes": boxes, "scores": scores}


def _nms(boxes, scores, iou_thresh=IOU_THRESH, max_out=MAX_OUT):
    # Greedy class-agnostic NMS, the core of the detection model's postprocess().
    x1, y1, x2, y2 = boxes[:, 0], boxes[:, 1], boxes[:, 2], boxes[:, 3]
    areas = (x2 - x1) * (y2 - y1)
    n = boxes.shape[0]
    idxs = jnp.arange(n)

    def step(mask, _):
        masked = jnp.where(mask, scores, -jnp.inf)
        i = jnp.argmax(masked)
        valid = mask[i]
        bx = boxes[i]
        xx1 = jnp.maximum(bx[0], x1)
        yy1 = jnp.maximum(bx[1], y1)
        xx2 = jnp.minimum(bx[2], x2)
        yy2 = jnp.minimum(bx[3], y2)
        inter = jnp.maximum(xx2 - xx1, 0.0) * jnp.maximum(yy2 - yy1, 0.0)
        iou = inter / (areas[i] + areas - inter + 1e-8)
        new_mask = mask & (iou <= iou_thresh) & (idxs != i)
        v = valid.astype(scores.dtype)
        sc = scores[i] * v
        bout = bx * v
        return new_mask, (bout, sc)

    mask0 = jnp.ones((n,), dtype=bool)
    _, (b_out, s_out) = jax.lax.scan(step, mask0, None, length=max_out)
    return b_out, s_out


def reference(boxes, scores):
    # postprocess -> detection_boxes, detection_scores, detection_classes
    det_boxes, det_scores = _nms(boxes, scores)
    det_classes = jnp.zeros_like(det_scores)  # single-class placeholder
    # combined = concat([boxes, classes, scores], axis=2), batch dim = 1
    combined = jnp.concatenate(
        [det_boxes, det_classes[:, None], det_scores[:, None]], axis=1
    )
    return combined[None, :, :]

if __name__ == "__main__":
    import jax
    _d = setup_inputs()
    print(jax.jit(kernel)(*tuple(_d.values())))

</pallas_src>

<mosaic_0001>
#map = affine_map<(d0, d1) -> (0, 0)>
#map1 = affine_map<(d0, d1) -> (0)>
module attributes {stable_mosaic.version = 14 : i64} {
  func.func @_nms_body(%arg0: i32, %arg1: i32, %arg2: memref<4x5120xf32, #tpu.memory_space<hbm>>, %arg3: memref<5120xf32, #tpu.memory_space<hbm>>, %arg4: memref<1600xf32, #tpu.memory_space<hbm>>, %arg5: memref<5120xf32, #tpu.memory_space<vmem>>, %arg6: memref<5120xf32, #tpu.memory_space<vmem>>, %arg7: memref<5120xf32, #tpu.memory_space<vmem>>, %arg8: memref<5120xf32, #tpu.memory_space<vmem>>, %arg9: memref<320xf32, #tpu.memory_space<vmem>>, %arg10: memref<320xf32, #tpu.memory_space<vmem>>, %arg11: memref<32xf32, #tpu.memory_space<vmem>>, %arg12: memref<512xf32, #tpu.memory_space<vmem>>, %arg13: memref<1600xf32, #tpu.memory_space<vmem>>, %arg14: memref<1024xf32, #tpu.memory_space<vmem_shared>>) attributes {dimension_semantics = [#tpu.dimension_semantics<core_parallel>, #tpu.dimension_semantics<subcore_parallel>], iteration_bounds = array<i64: 1, 16>, scalar_prefetch = 0 : i64, scratch_operands = 10 : i64, tpu.core_type = #tpu.core_type<sc_vector_subcore>, window_params = [{transform_indices = #map}, {transform_indices = #map1}, {transform_indices = #map1}]} {
    %mul3A = arith.constant 320 : i32
    %mul3A_0 = arith.muli %arg1, %mul3A : i32
    %run_scoped3A = arith.constant 0 : i32
    "tpu.region"() ({
      %run_scoped3A_312 = tpu.sem_alloc : memref<!tpu.dma_semaphore, #tpu.memory_space<semaphore_mem>>
      %dma_start3A = arith.constant 0 : i32
      %dma_start3A_313 = tpu.memref_slice %arg2[%run_scoped3A, %dma_start3A] : memref<4x5120xf32, #tpu.memory_space<hbm>> -> memref<1x5120xf32, #tpu.memory_space<hbm>>
      %dma_start3A_314 = tpu.memref_squeeze %dma_start3A_313 : memref<1x5120xf32, #tpu.memory_space<hbm>> -> memref<5120xf32, #tpu.memory_space<hbm>>
      %dma_start3A_315 = arith.constant 0 : i32
      %dma_start3A_316 = tpu.memref_slice %arg2[%run_scoped3A, %dma_start3A_315] : memref<4x5120xf32, #tpu.memory_space<hbm>> -> memref<1x5120xf32, #tpu.memory_space<hbm>>
      %dma_start3A_317 = tpu.memref_squeeze %dma_start3A_316 : memref<1x5120xf32, #tpu.memory_space<hbm>> -> memref<5120xf32, #tpu.memory_space<hbm>>
      tpu.enqueue_dma source(%dma_start3A_317 : memref<5120xf32, #tpu.memory_space<hbm>>) target(%arg5 : memref<5120xf32, #tpu.memory_space<vmem>>) target_semaphore(%run_scoped3A_312 : memref<!tpu.dma_semaphore, #tpu.memory_space<semaphore_mem>>)
      %dma_wait3A = arith.constant 0 : i32
      %dma_wait3A_318 = tpu.memref_slice %arg2[%run_scoped3A, %dma_wait3A] : memref<4x5120xf32, #tpu.memory_space<hbm>> -> memref<1x5120xf32, #tpu.memory_space<hbm>>
      %dma_wait3A_319 = tpu.memref_squeeze %dma_wait3A_318 : memref<1x5120xf32, #tpu.memory_space<hbm>> -> memref<5120xf32, #tpu.memory_space<hbm>>
      %dma_wait3A_320 = arith.constant 0 : i32
      %dma_wait3A_321 = tpu.memref_slice %arg2[%run_scoped3A, %dma_wait3A_320] : memref<4x5120xf32, #tpu.memory_space<hbm>> -> memref<1x5120xf32, #tpu.memory_space<hbm>>
      %dma_wait3A_322 = tpu.memref_squeeze %dma_wait3A_321 : memref<1x5120xf32, #tpu.memory_space<hbm>> -> memref<5120xf32, #tpu.memory_space<hbm>>
      tpu.wait_dma2 semaphore(%run_scoped3A_312 : memref<!tpu.dma_semaphore, #tpu.memory_space<semaphore_mem>>) src(%dma_wait3A_322 : memref<5120xf32, #tpu.memory_space<hbm>>) dst(%arg5 : memref<5120xf32, #tpu.memory_space<vmem>>)
      tpu.yield
    }) : () -> ()
    %run_scoped3A_1 = arith.constant 1 : i32
    "tpu.region"() ({
      %run_scoped3A_312 = tpu.sem_alloc : memref<!tpu.dma_semaphore, #tpu.memory_space<semaphore_mem>>
      %dma_start3A = arith.constant 0 : i32
      %dma_start3A_313 = tpu.memref_slice %arg2[%run_scoped3A_1, %dma_start3A] : memref<4x5120xf32, #tpu.memory_space<hbm>> -> memref<1x5120xf32, #tpu.memory_space<hbm>>
      %dma_start3A_314 = tpu.memref_squeeze %dma_start3A_313 : memref<1x5120xf32, #tpu.memory_space<hbm>> -> memref<5120xf32, #tpu.memory_space<hbm>>
      %dma_start3A_315 = arith.constant 0 : i32
      %dma_start3A_316 = tpu.memref_slice %arg2[%run_scoped3A_1, %dma_start3A_315] : memref<4x5120xf32, #tpu.memory_space<hbm>> -> memref<1x5120xf32, #tpu.memory_space<hbm>>
      %dma_start3A_317 = tpu.memref_squeeze %dma_start3A_316 : memref<1x5120xf32, #tpu.memory_space<hbm>> -> memref<5120xf32, #tpu.memory_space<hbm>>
      tpu.enqueue_dma source(%dma_start3A_317 : memref<5120xf32, #tpu.memory_space<hbm>>) target(%arg6 : memref<5120xf32, #tpu.memory_space<vmem>>) target_semaphore(%run_scoped3A_312 : memref<!tpu.dma_semaphore, #tpu.memory_space<semaphore_mem>>)
      %dma_wait3A = arith.constant 0 : i32
      %dma_wait3A_318 = tpu.memref_slice %arg2[%run_scoped3A_1, %dma_wait3A] : memref<4x5120xf32, #tpu.memory_space<hbm>> -> memref<1x5120xf32, #tpu.memory_space<hbm>>
      %dma_wait3A_319 = tpu.memref_squeeze %dma_wait3A_318 : memref<1x5120xf32, #tpu.memory_space<hbm>> -> memref<5120xf32, #tpu.memory_space<hbm>>
      %dma_wait3A_320 = arith.constant 0 : i32
      %dma_wait3A_321 = tpu.memref_slice %arg2[%run_scoped3A_1, %dma_wait3A_320] : memref<4x5120xf32, #tpu.memory_space<hbm>> -> memref<1x5120xf32, #tpu.memory_space<hbm>>
      %dma_wait3A_322 = tpu.memref_squeeze %dma_wait3A_321 : memref<1x5120xf32, #tpu.memory_space<hbm>> -> memref<5120xf32, #tpu.memory_space<hbm>>
      tpu.wait_dma2 semaphore(%run_scoped3A_312 : memref<!tpu.dma_semaphore, #tpu.memory_space<semaphore_mem>>) src(%dma_wait3A_322 : memref<5120xf32, #tpu.memory_space<hbm>>) dst(%arg6 : memref<5120xf32, #tpu.memory_space<vmem>>)
      tpu.yield
    }) : () -> ()
    %run_scoped3A_2 = arith.constant 2 : i32
    "tpu.region"() ({
      %run_scoped3A_312 = tpu.sem_alloc : memref<!tpu.dma_semaphore, #tpu.memory_space<semaphore_mem>>
      %dma_start3A = arith.constant 0 : i32
      %dma_start3A_313 = tpu.memref_slice %arg2[%run_scoped3A_2, %dma_start3A] : memref<4x5120xf32, #tpu.memory_space<hbm>> -> memref<1x5120xf32, #tpu.memory_space<hbm>>
      %dma_start3A_314 = tpu.memref_squeeze %dma_start3A_313 : memref<1x5120xf32, #tpu.memory_space<hbm>> -> memref<5120xf32, #tpu.memory_space<hbm>>
      %dma_start3A_315 = arith.constant 0 : i32
      %dma_start3A_316 = tpu.memref_slice %arg2[%run_scoped3A_2, %dma_start3A_315] : memref<4x5120xf32, #tpu.memory_space<hbm>> -> memref<1x5120xf32, #tpu.memory_space<hbm>>
      %dma_start3A_317 = tpu.memref_squeeze %dma_start3A_316 : memref<1x5120xf32, #tpu.memory_space<hbm>> -> memref<5120xf32, #tpu.memory_space<hbm>>
      tpu.enqueue_dma source(%dma_start3A_317 : memref<5120xf32, #tpu.memory_space<hbm>>) target(%arg7 : memref<5120xf32, #tpu.memory_space<vmem>>) target_semaphore(%run_scoped3A_312 : memref<!tpu.dma_semaphore, #tpu.memory_space<semaphore_mem>>)
      %dma_wait3A = arith.constant 0 : i32
      %dma_wait3A_318 = tpu.memref_slice %arg2[%run_scoped3A_2, %dma_wait3A] : memref<4x5120xf32, #tpu.memory_space<hbm>> -> memref<1x5120xf32, #tpu.memory_space<hbm>>
      %dma_wait3A_319 = tpu.memref_squeeze %dma_wait3A_318 : memref<1x5120xf32, #tpu.memory_space<hbm>> -> memref<5120xf32, #tpu.memory_space<hbm>>
      %dma_wait3A_320 = arith.constant 0 : i32
      %dma_wait3A_321 = tpu.memref_slice %arg2[%run_scoped3A_2, %dma_wait3A_320] : memref<4x5120xf32, #tpu.memory_space<hbm>> -> memref<1x5120xf32, #tpu.memory_space<hbm>>
      %dma_wait3A_322 = tpu.memref_squeeze %dma_wait3A_321 : memref<1x5120xf32, #tpu.memory_space<hbm>> -> memref<5120xf32, #tpu.memory_space<hbm>>
      tpu.wait_dma2 semaphore(%run_scoped3A_312 : memref<!tpu.dma_semaphore, #tpu.memory_space<semaphore_mem>>) src(%dma_wait3A_322 : memref<5120xf32, #tpu.memory_space<hbm>>) dst(%arg7 : memref<5120xf32, #tpu.memory_space<vmem>>)
      tpu.yield
    }) : () -> ()
    %run_scoped3A_3 = arith.constant 3 : i32
    "tpu.region"() ({
      %run_scoped3A_312 = tpu.sem_alloc : memref<!tpu.dma_semaphore, #tpu.memory_space<semaphore_mem>>
      %dma_start3A = arith.constant 0 : i32
      %dma_start3A_313 = tpu.memref_slice %arg2[%run_scoped3A_3, %dma_start3A] : memref<4x5120xf32, #tpu.memory_space<hbm>> -> memref<1x5120xf32, #tpu.memory_space<hbm>>
      %dma_start3A_314 = tpu.memref_squeeze %dma_start3A_313 : memref<1x5120xf32, #tpu.memory_space<hbm>> -> memref<5120xf32, #tpu.memory_space<hbm>>
      %dma_start3A_315 = arith.constant 0 : i32
      %dma_start3A_316 = tpu.memref_slice %arg2[%run_scoped3A_3, %dma_start3A_315] : memref<4x5120xf32, #tpu.memory_space<hbm>> -> memref<1x5120xf32, #tpu.memory_space<hbm>>
      %dma_start3A_317 = tpu.memref_squeeze %dma_start3A_316 : memref<1x5120xf32, #tpu.memory_space<hbm>> -> memref<5120xf32, #tpu.memory_space<hbm>>
      tpu.enqueue_dma source(%dma_start3A_317 : memref<5120xf32, #tpu.memory_space<hbm>>) target(%arg8 : memref<5120xf32, #tpu.memory_space<vmem>>) target_semaphore(%run_scoped3A_312 : memref<!tpu.dma_semaphore, #tpu.memory_space<semaphore_mem>>)
      %dma_wait3A = arith.constant 0 : i32
      %dma_wait3A_318 = tpu.memref_slice %arg2[%run_scoped3A_3, %dma_wait3A] : memref<4x5120xf32, #tpu.memory_space<hbm>> -> memref<1x5120xf32, #tpu.memory_space<hbm>>
      %dma_wait3A_319 = tpu.memref_squeeze %dma_wait3A_318 : memref<1x5120xf32, #tpu.memory_space<hbm>> -> memref<5120xf32, #tpu.memory_space<hbm>>
      %dma_wait3A_320 = arith.constant 0 : i32
      %dma_wait3A_321 = tpu.memref_slice %arg2[%run_scoped3A_3, %dma_wait3A_320] : memref<4x5120xf32, #tpu.memory_space<hbm>> -> memref<1x5120xf32, #tpu.memory_space<hbm>>
      %dma_wait3A_322 = tpu.memref_squeeze %dma_wait3A_321 : memref<1x5120xf32, #tpu.memory_space<hbm>> -> memref<5120xf32, #tpu.memory_space<hbm>>
      tpu.wait_dma2 semaphore(%run_scoped3A_312 : memref<!tpu.dma_semaphore, #tpu.memory_space<semaphore_mem>>) src(%dma_wait3A_322 : memref<5120xf32, #tpu.memory_space<hbm>>) dst(%arg8 : memref<5120xf32, #tpu.memory_space<vmem>>)
      tpu.yield
    }) : () -> ()
    "tpu.region"() ({
      %run_scoped3A_312 = tpu.sem_alloc : memref<!tpu.dma_semaphore, #tpu.memory_space<semaphore_mem>>
      %dma_start3A = tpu.memref_slice %arg3[%mul3A_0] : memref<5120xf32, #tpu.memory_space<hbm>> -> memref<320xf32, #tpu.memory_space<hbm>>
      %dma_start3A_313 = tpu.memref_slice %arg3[%mul3A_0] : memref<5120xf32, #tpu.memory_space<hbm>> -> memref<320xf32, #tpu.memory_space<hbm>>
      tpu.enqueue_dma source(%dma_start3A_313 : memref<320xf32, #tpu.memory_space<hbm>>) target(%arg10 : memref<320xf32, #tpu.memory_space<vmem>>) target_semaphore(%run_scoped3A_312 : memref<!tpu.dma_semaphore, #tpu.memory_space<semaphore_mem>>)
      %dma_wait3A = tpu.memref_slice %arg3[%mul3A_0] : memref<5120xf32, #tpu.memory_space<hbm>> -> memref<320xf32, #tpu.memory_space<hbm>>
      %dma_wait3A_314 = tpu.memref_slice %arg3[%mul3A_0] : memref<5120xf32, #tpu.memory_space<hbm>> -> memref<320xf32, #tpu.memory_space<hbm>>
      tpu.wait_dma2 semaphore(%run_scoped3A_312 : memref<!tpu.dma_semaphore, #tpu.memory_space<semaphore_mem>>) src(%dma_wait3A_314 : memref<320xf32, #tpu.memory_space<hbm>>) dst(%arg10 : memref<320xf32, #tpu.memory_space<vmem>>)
      tpu.yield
    }) : () -> ()
    %add3A = arith.constant 0 : i32
    %add3A_4 = arith.addi %mul3A_0, %add3A : i32
    %get3A = arith.index_cast %add3A_4 : i32 to index
    %get3A_5 = tpu.vector_load %arg7[%get3A] {strides = array<i32>} : memref<5120xf32, #tpu.memory_space<vmem>>, vector<16xf32>,
    %get3A_6 = arith.index_cast %add3A_4 : i32 to index
    %get3A_7 = tpu.vector_load %arg5[%get3A_6] {strides = array<i32>} : memref<5120xf32, #tpu.memory_space<vmem>>, vector<16xf32>,
    %sub3A = arith.subf %get3A_5, %get3A_7 : vector<16xf32>
    %get3A_8 = arith.index_cast %add3A_4 : i32 to index
    %get3A_9 = tpu.vector_load %arg8[%get3A_8] {strides = array<i32>} : memref<5120xf32, #tpu.memory_space<vmem>>, vector<16xf32>,
    %get3A_10 = arith.index_cast %add3A_4 : i32 to index
    %get3A_11 = tpu.vector_load %arg6[%get3A_10] {strides = array<i32>} : memref<5120xf32, #tpu.memory_space<vmem>>, vector<16xf32>,
    %sub3A_12 = arith.subf %get3A_9, %get3A_11 : vector<16xf32>
    %mul3A_13 = arith.mulf %sub3A, %sub3A_12 : vector<16xf32>
    %swap3A = arith.constant 0 : index
    %swap3A_14 = tpu.vector_load %arg9[%swap3A] {strides = array<i32>} : memref<320xf32, #tpu.memory_space<vmem>>, vector<16xf32>,
    tpu.vector_store %arg9[%swap3A], %mul3A_13 {strides = array<i32>} : memref<320xf32, #tpu.memory_space<vmem>>, vector<16xf32>,
    %add3A_15 = arith.constant 16 : i32
    %add3A_16 = arith.addi %mul3A_0, %add3A_15 : i32
    %get3A_17 = arith.index_cast %add3A_16 : i32 to index
    %get3A_18 = tpu.vector_load %arg7[%get3A_17] {strides = array<i32>} : memref<5120xf32, #tpu.memory_space<vmem>>, vector<16xf32>,
    %get3A_19 = arith.index_cast %add3A_16 : i32 to index
    %get3A_20 = tpu.vector_load %arg5[%get3A_19] {strides = array<i32>} : memref<5120xf32, #tpu.memory_space<vmem>>, vector<16xf32>,
    %sub3A_21 = arith.subf %get3A_18, %get3A_20 : vector<16xf32>
    %get3A_22 = arith.index_cast %add3A_16 : i32 to index
    %get3A_23 = tpu.vector_load %arg8[%get3A_22] {strides = array<i32>} : memref<5120xf32, #tpu.memory_space<vmem>>, vector<16xf32>,
    %get3A_24 = arith.index_cast %add3A_16 : i32 to index
    %get3A_25 = tpu.vector_load %arg6[%get3A_24] {strides = array<i32>} : memref<5120xf32, #tpu.memory_space<vmem>>, vector<16xf32>,
    %sub3A_26 = arith.subf %get3A_23, %get3A_25 : vector<16xf32>
    %mul3A_27 = arith.mulf %sub3A_21, %sub3A_26 : vector<16xf32>
    %swap3A_28 = arith.constant 16 : index
    %swap3A_29 = tpu.vector_load %arg9[%swap3A_28] {strides = array<i32>} : memref<320xf32, #tpu.memory_space<vmem>>, vector<16xf32>,
    tpu.vector_store %arg9[%swap3A_28], %mul3A_27 {strides = array<i32>} : memref<320xf32, #tpu.memory_space<vmem>>, vector<16xf32>,
    %add3A_30 = arith.constant 32 : i32
    %add3A_31 = arith.addi %mul3A_0, %add3A_30 : i32
    %get3A_32 = arith.index_cast %add3A_31 : i32 to index
    %get3A_33 = tpu.vector_load %arg7[%get3A_32] {strides = array<i32>} : memref<5120xf32, #tpu.memory_space<vmem>>, vector<16xf32>,
    %get3A_34 = arith.index_cast %add3A_31 : i32 to index
    %get3A_35 = tpu.vector_load %arg5[%get3A_34] {strides = array<i32>} : memref<5120xf32, #tpu.memory_space<vmem>>, vector<16xf32>,
    %sub3A_36 = arith.subf %get3A_33, %get3A_35 : vector<16xf32>
    %get3A_37 = arith.index_cast %add3A_31 : i32 to index
    %get3A_38 = tpu.vector_load %arg8[%get3A_37] {strides = array<i32>} : memref<5120xf32, #tpu.memory_space<vmem>>, vector<16xf32>,
    %get3A_39 = arith.index_cast %add3A_31 : i32 to index
    %get3A_40 = tpu.vector_load %arg6[%get3A_39] {strides = array<i32>} : memref<5120xf32, #tpu.memory_space<vmem>>, vector<16xf32>,
    %sub3A_41 = arith.subf %get3A_38, %get3A_40 : vector<16xf32>
    %mul3A_42 = arith.mulf %sub3A_36, %sub3A_41 : vector<16xf32>
    %swap3A_43 = arith.constant 32 : index
    %swap3A_44 = tpu.vector_load %arg9[%swap3A_43] {strides = array<i32>} : memref<320xf32, #tpu.memory_space<vmem>>, vector<16xf32>,
    tpu.vector_store %arg9[%swap3A_43], %mul3A_42 {strides = array<i32>} : memref<320xf32, #tpu.memory_space<vmem>>, vector<16xf32>,
    %add3A_45 = arith.constant 48 : i32
    %add3A_46 = arith.addi %mul3A_0, %add3A_45 : i32
    %get3A_47 = arith.index_cast %add3A_46 : i32 to index
    %get3A_48 = tpu.vector_load %arg7[%get3A_47] {strides = array<i32>} : memref<5120xf32, #tpu.memory_space<vmem>>, vector<16xf32>,
    %get3A_49 = arith.index_cast %add3A_46 : i32 to index
    %get3A_50 = tpu.vector_load %arg5[%get3A_49] {strides = array<i32>} : memref<5120xf32, #tpu.memory_space<vmem>>, vector<16xf32>,
    %sub3A_51 = arith.subf %get3A_48, %get3A_50 : vector<16xf32>
    %get3A_52 = arith.index_cast %add3A_46 : i32 to index
    %get3A_53 = tpu.vector_load %arg8[%get3A_52] {strides = array<i32>} : memref<5120xf32, #tpu.memory_space<vmem>>, vector<16xf32>,
    %get3A_54 = arith.index_cast %add3A_46 : i32 to index
    %get3A_55 = tpu.vector_load %arg6[%get3A_54] {strides = array<i32>} : memref<5120xf32, #tpu.memory_space<vmem>>, vector<16xf32>,
    %sub3A_56 = arith.subf %get3A_53, %get3A_55 : vector<16xf32>
    %mul3A_57 = arith.mulf %sub3A_51, %sub3A_56 : vector<16xf32>
    %swap3A_58 = arith.constant 48 : index
    %swap3A_59 = tpu.vector_load %arg9[%swap3A_58] {strides = array<i32>} : memref<320xf32, #tpu.memory_space<vmem>>, vector<16xf32>,
    tpu.vector_store %arg9[%swap3A_58], %mul3A_57 {strides = array<i32>} : memref<320xf32, #tpu.memory_space<vmem>>, vector<16xf32>,
    %add3A_60 = arith.constant 64 : i32
    %add3A_61 = arith.addi %mul3A_0, %add3A_60 : i32
    %get3A_62 = arith.index_cast %add3A_61 : i32 to index
    %get3A_63 = tpu.vector_load %arg7[%get3A_62] {strides = array<i32>} : memref<5120xf32, #tpu.memory_space<vmem>>, vector<16xf32>,
    %get3A_64 = arith.index_cast %add3A_61 : i32 to index
    %get3A_65 = tpu.vector_load %arg5[%get3A_64] {strides = array<i32>} : memref<5120xf32, #tpu.memory_space<vmem>>, vector<16xf32>,
    %sub3A_66 = arith.subf %get3A_63, %get3A_65 : vector<16xf32>
    %get3A_67 = arith.index_cast %add3A_61 : i32 to index
    %get3A_68 = tpu.vector_load %arg8[%get3A_67] {strides = array<i32>} : memref<5120xf32, #tpu.memory_space<vmem>>, vector<16xf32>,
    %get3A_69 = arith.index_cast %add3A_61 : i32 to index
    %get3A_70 = tpu.vector_load %arg6[%get3A_69] {strides = array<i32>} : memref<5120xf32, #tpu.memory_space<vmem>>, vector<16xf32>,
    %sub3A_71 = arith.subf %get3A_68, %get3A_70 : vector<16xf32>
    %mul3A_72 = arith.mulf %sub3A_66, %sub3A_71 : vector<16xf32>
    %swap3A_73 = arith.constant 64 : index
    %swap3A_74 = tpu.vector_load %arg9[%swap3A_73] {strides = array<i32>} : memref<320xf32, #tpu.memory_space<vmem>>, vector<16xf32>,
    tpu.vector_store %arg9[%swap3A_73], %mul3A_72 {strides = array<i32>} : memref<320xf32, #tpu.memory_space<vmem>>, vector<16xf32>,
    %add3A_75 = arith.constant 80 : i32
    %add3A_76 = arith.addi %mul3A_0, %add3A_75 : i32
    %get3A_77 = arith.index_cast %add3A_76 : i32 to index
    %get3A_78 = tpu.vector_load %arg7[%get3A_77] {strides = array<i32>} : memref<5120xf32, #tpu.memory_space<vmem>>, vector<16xf32>,
    %get3A_79 = arith.index_cast %add3A_76 : i32 to index
    %get3A_80 = tpu.vector_load %arg5[%get3A_79] {strides = array<i32>} : memref<5120xf32, #tpu.memory_space<vmem>>, vector<16xf32>,
    %sub3A_81 = arith.subf %get3A_78, %get3A_80 : vector<16xf32>
    %get3A_82 = arith.index_cast %add3A_76 : i32 to index
    %get3A_83 = tpu.vector_load %arg8[%get3A_82] {strides = array<i32>} : memref<5120xf32, #tpu.memory_space<vmem>>, vector<16xf32>,
    %get3A_84 = arith.index_cast %add3A_76 : i32 to index
    %get3A_85 = tpu.vector_load %arg6[%get3A_84] {strides = array<i32>} : memref<5120xf32, #tpu.memory_space<vmem>>, vector<16xf32>,
    %sub3A_86 = arith.subf %get3A_83, %get3A_85 : vector<16xf32>
    %mul3A_87 = arith.mulf %sub3A_81, %sub3A_86 : vector<16xf32>
    %swap3A_88 = arith.constant 80 : index
    %swap3A_89 = tpu.vector_load %arg9[%swap3A_88] {strides = array<i32>} : memref<320xf32, #tpu.memory_space<vmem>>, vector<16xf32>,
    tpu.vector_store %arg9[%swap3A_88], %mul3A_87 {strides = array<i32>} : memref<320xf32, #tpu.memory_space<vmem>>, vector<16xf32>,
    %add3A_90 = arith.constant 96 : i32
    %add3A_91 = arith.addi %mul3A_0, %add3A_90 : i32
    %get3A_92 = arith.index_cast %add3A_91 : i32 to index
    %get3A_93 = tpu.vector_load %arg7[%get3A_92] {strides = array<i32>} : memref<5120xf32, #tpu.memory_space<vmem>>, vector<16xf32>,
    %get3A_94 = arith.index_cast %add3A_91 : i32 to index
    %get3A_95 = tpu.vector_load %arg5[%get3A_94] {strides = array<i32>} : memref<5120xf32, #tpu.memory_space<vmem>>, vector<16xf32>,
    %sub3A_96 = arith.subf %get3A_93, %get3A_95 : vector<16xf32>
    %get3A_97 = arith.index_cast %add3A_91 : i32 to index
    %get3A_98 = tpu.vector_load %arg8[%get3A_97] {strides = array<i32>} : memref<5120xf32, #tpu.memory_space<vmem>>, vector<16xf32>,
    %get3A_99 = arith.index_cast %add3A_91 : i32 to index
    %get3A_100 = tpu.vector_load %arg6[%get3A_99] {strides = array<i32>} : memref<5120xf32, #tpu.memory_space<vmem>>, vector<16xf32>,
    %sub3A_101 = arith.subf %get3A_98, %get3A_100 : vector<16xf32>
    %mul3A_102 = arith.mulf %sub3A_96, %sub3A_101 : vector<16xf32>
    %swap3A_103 = arith.constant 96 : index
    %swap3A_104 = tpu.vector_load %arg9[%swap3A_103] {strides = array<i32>} : memref<320xf32, #tpu.memory_space<vmem>>, vector<16xf32>,
    tpu.vector_store %arg9[%swap3A_103], %mul3A_102 {strides = array<i32>} : memref<320xf32, #tpu.memory_space<vmem>>, vector<16xf32>,
    %add3A_105 = arith.constant 112 : i32
    %add3A_106 = arith.addi %mul3A_0, %add3A_105 : i32
    %get3A_107 = arith.index_cast %add3A_106 : i32 to index
    %get3A_108 = tpu.vector_load %arg7[%get3A_107] {strides = array<i32>} : memref<5120xf32, #tpu.memory_space<vmem>>, vector<16xf32>,
    %get3A_109 = arith.index_cast %add3A_106 : i32 to index
    %get3A_110 = tpu.vector_load %arg5[%get3A_109] {strides = array<i32>} : memref<5120xf32, #tpu.memory_space<vmem>>, vector<16xf32>,
    %sub3A_111 = arith.subf %get3A_108, %get3A_110 : vector<16xf32>
    %get3A_112 = arith.index_cast %add3A_106 : i32 to index
    %get3A_113 = tpu.vector_load %arg8[%get3A_112] {strides = array<i32>} : memref<5120xf32, #tpu.memory_space<vmem>>, vector<16xf32>,
    %get3A_114 = arith.index_cast %add3A_106 : i32 to index
    %get3A_115 = tpu.vector_load %arg6[%get3A_114] {strides = array<i32>} : memref<5120xf32, #tpu.memory_space<vmem>>, vector<16xf32>,
    %sub3A_116 = arith.subf %get3A_113, %get3A_115 : vector<16xf32>
    %mul3A_117 = arith.mulf %sub3A_111, %sub3A_116 : vector<16xf32>
    %swap3A_118 = arith.constant 112 : index
    %swap3A_119 = tpu.vector_load %arg9[%swap3A_118] {strides = array<i32>} : memref<320xf32, #tpu.memory_space<vmem>>, vector<16xf32>,
    tpu.vector_store %arg9[%swap3A_118], %mul3A_117 {strides = array<i32>} : memref<320xf32, #tpu.memory_space<vmem>>, vector<16xf32>,
    %add3A_120 = arith.constant 128 : i32
    %add3A_121 = arith.addi %mul3A_0, %add3A_120 : i32
    %get3A_122 = arith.index_cast %add3A_121 : i32 to index
    %get3A_123 = tpu.vector_load %arg7[%get3A_122] {strides = array<i32>} : memref<5120xf32, #tpu.memory_space<vmem>>, vector<16xf32>,
    %get3A_124 = arith.index_cast %add3A_121 : i32 to index
    %get3A_125 = tpu.vector_load %arg5[%get3A_124] {strides = array<i32>} : memref<5120xf32, #tpu.memory_space<vmem>>, vector<16xf32>,
    %sub3A_126 = arith.subf %get3A_123, %get3A_125 : vector<16xf32>
    %get3A_127 = arith.index_cast %add3A_121 : i32 to index
    %get3A_128 = tpu.vector_load %arg8[%get3A_127] {strides = array<i32>} : memref<5120xf32, #tpu.memory_space<vmem>>, vector<16xf32>,
    %get3A_129 = arith.index_cast %add3A_121 : i32 to index
    %get3A_130 = tpu.vector_load %arg6[%get3A_129] {strides = array<i32>} : memref<5120xf32, #tpu.memory_space<vmem>>, vector<16xf32>,
    %sub3A_131 = arith.subf %get3A_128, %get3A_130 : vector<16xf32>
    %mul3A_132 = arith.mulf %sub3A_126, %sub3A_131 : vector<16xf32>
    %swap3A_133 = arith.constant 128 : index
    %swap3A_134 = tpu.vector_load %arg9[%swap3A_133] {strides = array<i32>} : memref<320xf32, #tpu.memory_space<vmem>>, vector<16xf32>,
    tpu.vector_store %arg9[%swap3A_133], %mul3A_132 {strides = array<i32>} : memref<320xf32, #tpu.memory_space<vmem>>, vector<16xf32>,
    %add3A_135 = arith.constant 144 : i32
    %add3A_136 = arith.addi %mul3A_0, %add3A_135 : i32
    %get3A_137 = arith.index_cast %add3A_136 : i32 to index
    %get3A_138 = tpu.vector_load %arg7[%get3A_137] {strides = array<i32>} : memref<5120xf32, #tpu.memory_space<vmem>>, vector<16xf32>,
    %get3A_139 = arith.index_cast %add3A_136 : i32 to index
    %get3A_140 = tpu.vector_load %arg5[%get3A_139] {strides = array<i32>} : memref<5120xf32, #tpu.memory_space<vmem>>, vector<16xf32>,
    %sub3A_141 = arith.subf %get3A_138, %get3A_140 : vector<16xf32>
    %get3A_142 = arith.index_cast %add3A_136 : i32 to index
    %get3A_143 = tpu.vector_load %arg8[%get3A_142] {strides = array<i32>} : memref<5120xf32, #tpu.memory_space<vmem>>, vector<16xf32>,
    %get3A_144 = arith.index_cast %add3A_136 : i32 to index
    %get3A_145 = tpu.vector_load %arg6[%get3A_144] {strides = array<i32>} : memref<5120xf32, #tpu.memory_space<vmem>>, vector<16xf32>,
    %sub3A_146 = arith.subf %get3A_143, %get3A_145 : vector<16xf32>
    %mul3A_147 = arith.mulf %sub3A_141, %sub3A_146 : vector<16xf32>
    %swap3A_148 = arith.constant 144 : index
    %swap3A_149 = tpu.vector_load %arg9[%swap3A_148] {strides = array<i32>} : memref<320xf32, #tpu.memory_space<vmem>>, vector<16xf32>,
    tpu.vector_store %arg9[%swap3A_148], %mul3A_147 {strides = array<i32>} : memref<320xf32, #tpu.memory_space<vmem>>, vector<16xf32>,
    %add3A_150 = arith.constant 160 : i32
    %add3A_151 = arith.addi %mul3A_0, %add3A_150 : i32
    %get3A_152 = arith.index_cast %add3A_151 : i32 to index
    %get3A_153 = tpu.vector_load %arg7[%get3A_152] {strides = array<i32>} : memref<5120xf32, #tpu.memory_space<vmem>>, vector<16xf32>,
    %get3A_154 = arith.index_cast %add3A_151 : i32 to index
    %get3A_155 = tpu.vector_load %arg5[%get3A_154] {strides = array<i32>} : memref<5120xf32, #tpu.memory_space<vmem>>, vector<16xf32>,
    %sub3A_156 = arith.subf %get3A_153, %get3A_155 : vector<16xf32>
    %get3A_157 = arith.index_cast %add3A_151 : i32 to index
    %get3A_158 = tpu.vector_load %arg8[%get3A_157] {strides = array<i32>} : memref<5120xf32, #tpu.memory_space<vmem>>, vector<16xf32>,
    %get3A_159 = arith.index_cast %add3A_151 : i32 to index
    %get3A_160 = tpu.vector_load %arg6[%get3A_159] {strides = array<i32>} : memref<5120xf32, #tpu.memory_space<vmem>>, vector<16xf32>,
    %sub3A_161 = arith.subf %get3A_158, %get3A_160 : vector<16xf32>
    %mul3A_162 = arith.mulf %sub3A_156, %sub3A_161 : vector<16xf32>
    %swap3A_163 = arith.constant 160 : index
    %swap3A_164 = tpu.vector_load %arg9[%swap3A_163] {strides = array<i32>} : memref<320xf32, #tpu.memory_space<vmem>>, vector<16xf32>,
    tpu.vector_store %arg9[%swap3A_163], %mul3A_162 {strides = array<i32>} : memref<320xf32, #tpu.memory_space<vmem>>, vector<16xf32>,
    %add3A_165 = arith.constant 176 : i32
    %add3A_166 = arith.addi %mul3A_0, %add3A_165 : i32
    %get3A_167 = arith.index_cast %add3A_166 : i32 to index
    %get3A_168 = tpu.vector_load %arg7[%get3A_167] {strides = array<i32>} : memref<5120xf32, #tpu.memory_space<vmem>>, vector<16xf32>,
    %get3A_169 = arith.index_cast %add3A_166 : i32 to index
    %get3A_170 = tpu.vector_load %arg5[%get3A_169] {strides = array<i32>} : memref<5120xf32, #tpu.memory_space<vmem>>, vector<16xf32>,
    %sub3A_171 = arith.subf %get3A_168, %get3A_170 : vector<16xf32>
    %get3A_172 = arith.index_cast %add3A_166 : i32 to index
    %get3A_173 = tpu.vector_load %arg8[%get3A_172] {strides = array<i32>} : memref<5120xf32, #tpu.memory_space<vmem>>, vector<16xf32>,
    %get3A_174 = arith.index_cast %add3A_166 : i32 to index
    %get3A_175 = tpu.vector_load %arg6[%get3A_174] {strides = array<i32>} : memref<5120xf32, #tpu.memory_space<vmem>>, vector<16xf32>,
    %sub3A_176 = arith.subf %get3A_173, %get3A_175 : vector<16xf32>
    %mul3A_177 = arith.mulf %sub3A_171, %sub3A_176 : vector<16xf32>
    %swap3A_178 = arith.constant 176 : index
    %swap3A_179 = tpu.vector_load %arg9[%swap3A_178] {strides = array<i32>} : memref<320xf32, #tpu.memory_space<vmem>>, vector<16xf32>,
    tpu.vector_store %arg9[%swap3A_178], %mul3A_177 {strides = array<i32>} : memref<320xf32, #tpu.memory_space<vmem>>, vector<16xf32>,
    %add3A_180 = arith.constant 192 : i32
    %add3A_181 = arith.addi %mul3A_0, %add3A_180 : i32
    %get3A_182 = arith.index_cast %add3A_181 : i32 to index
    %get3A_183 = tpu.vector_load %arg7[%get3A_182] {strides = array<i32>} : memref<5120xf32, #tpu.memory_space<vmem>>, vector<16xf32>,
    %get3A_184 = arith.index_cast %add3A_181 : i32 to index
    %get3A_185 = tpu.vector_load %arg5[%get3A_184] {strides = array<i32>} : memref<5120xf32, #tpu.memory_space<vmem>>, vector<16xf32>,
    %sub3A_186 = arith.subf %get3A_183, %get3A_185 : vector<16xf32>
    %get3A_187 = arith.index_cast %add3A_181 : i32 to index
    %get3A_188 = tpu.vector_load %arg8[%get3A_187] {strides = array<i32>} : memref<5120xf32, #tpu.memory_space<vmem>>, vector<16xf32>,
    %get3A_189 = arith.index_cast %add3A_181 : i32 to index
    %get3A_190 = tpu.vector_load %arg6[%get3A_189] {strides = array<i32>} : memref<5120xf32, #tpu.memory_space<vmem>>, vector<16xf32>,
    %sub3A_191 = arith.subf %get3A_188, %get3A_190 : vector<16xf32>
    %mul3A_192 = arith.mulf %sub3A_186, %sub3A_191 : vector<16xf32>
    %swap3A_193 = arith.constant 192 : index
    %swap3A_194 = tpu.vector_load %arg9[%swap3A_193] {strides = array<i32>} : memref<320xf32, #tpu.memory_space<vmem>>, vector<16xf32>,
    tpu.vector_store %arg9[%swap3A_193], %mul3A_192 {strides = array<i32>} : memref<320xf32, #tpu.memory_space<vmem>>, vector<16xf32>,
    %add3A_195 = arith.constant 208 : i32
    %add3A_196 = arith.addi %mul3A_0, %add3A_195 : i32
    %get3A_197 = arith.index_cast %add3A_196 : i32 to index
    %get3A_198 = tpu.vector_load %arg7[%get3A_197] {strides = array<i32>} : memref<5120xf32, #tpu.memory_space<vmem>>, vector<16xf32>,
    %get3A_199 = arith.index_cast %add3A_196 : i32 to index
    %get3A_200 = tpu.vector_load %arg5[%get3A_199] {strides = array<i32>} : memref<5120xf32, #tpu.memory_space<vmem>>, vector<16xf32>,
    %sub3A_201 = arith.subf %get3A_198, %get3A_200 : vector<16xf32>
    %get3A_202 = arith.index_cast %add3A_196 : i32 to index
    %get3A_203 = tpu.vector_load %arg8[%get3A_202] {strides = array<i32>} : memref<5120xf32, #tpu.memory_space<vmem>>, vector<16xf32>,
    %get3A_204 = arith.index_cast %add3A_196 : i32 to index
    %get3A_205 = tpu.vector_load %arg6[%get3A_204] {strides = array<i32>} : memref<5120xf32, #tpu.memory_space<vmem>>, vector<16xf32>,
    %sub3A_206 = arith.subf %get3A_203, %get3A_205 : vector<16xf32>
    %mul3A_207 = arith.mulf %sub3A_201, %sub3A_206 : vector<16xf32>
    %swap3A_208 = arith.constant 208 : index
    %swap3A_209 = tpu.vector_load %arg9[%swap3A_208] {strides = array<i32>} : memref<320xf32, #tpu.memory_space<vmem>>, vector<16xf32>,
    tpu.vector_store %arg9[%swap3A_208], %mul3A_207 {strides = array<i32>} : memref<320xf32, #tpu.memory_space<vmem>>, vector<16xf32>,
    %add3A_210 = arith.constant 224 : i32
    %add3A_211 = arith.addi %mul3A_0, %add3A_210 : i32
    %get3A_212 = arith.index_cast %add3A_211 : i32 to index
    %get3A_213 = tpu.vector_load %arg7[%get3A_212] {strides = array<i32>} : memref<5120xf32, #tpu.memory_space<vmem>>, vector<16xf32>,
    %get3A_214 = arith.index_cast %add3A_211 : i32 to index
    %get3A_215 = tpu.vector_load %arg5[%get3A_214] {strides = array<i32>} : memref<5120xf32, #tpu.memory_space<vmem>>, vector<16xf32>,
    %sub3A_216 = arith.subf %get3A_213, %get3A_215 : vector<16xf32>
    %get3A_217 = arith.index_cast %add3A_211 : i32 to index
    %get3A_218 = tpu.vector_load %arg8[%get3A_217] {strides = array<i32>} : memref<5120xf32, #tpu.memory_space<vmem>>, vector<16xf32>,
    %get3A_219 = arith.index_cast %add3A_211 : i32 to index
    %get3A_220 = tpu.vector_load %arg6[%get3A_219] {strides = array<i32>} : memref<5120xf32, #tpu.memory_space<vmem>>, vector<16xf32>,
    %sub3A_221 = arith.subf %get3A_218, %get3A_220 : vector<16xf32>
    %mul3A_222 = arith.mulf %sub3A_216, %sub3A_221 : vector<16xf32>
    %swap3A_223 = arith.constant 224 : index
    %swap3A_224 = tpu.vector_load %arg9[%swap3A_223] {strides = array<i32>} : memref<320xf32, #tpu.memory_space<vmem>>, vector<16xf32>,
    tpu.vector_store %arg9[%swap3A_223], %mul3A_222 {strides = array<i32>} : memref<320xf32, #tpu.memory_space<vmem>>, vector<16xf32>,
    %add3A_225 = arith.constant 240 : i32
    %add3A_226 = arith.addi %mul3A_0, %add3A_225 : i32
    %get3A_227 = arith.index_cast %add3A_226 : i32 to index
    %get3A_228 = tpu.vector_load %arg7[%get3A_227] {strides = array<i32>} : memref<5120xf32, #tpu.memory_space<vmem>>, vector<16xf32>,
    %get3A_229 = arith.index_cast %add3A_226 : i32 to index
    %get3A_230 = tpu.vector_load %arg5[%get3A_229] {strides = array<i32>} : memref<5120xf32, #tpu.memory_space<vmem>>, vector<16xf32>,
    %sub3A_231 = arith.subf %get3A_228, %get3A_230 : vector<16xf32>
    %get3A_232 = arith.index_cast %add3A_226 : i32 to index
    %get3A_233 = tpu.vector_load %arg8[%get3A_232] {strides = array<i32>} : memref<5120xf32, #tpu.memory_space<vmem>>, vector<16xf32>,
    %get3A_234 = arith.index_cast %add3A_226 : i32 to index
    %get3A_235 = tpu.vector_load %arg6[%get3A_234] {strides = array<i32>} : memref<5120xf32, #tpu.memory_space<vmem>>, vector<16xf32>,
    %sub3A_236 = arith.subf %get3A_233, %get3A_235 : vector<16xf32>
    %mul3A_237 = arith.mulf %sub3A_231, %sub3A_236 : vector<16xf32>
    %swap3A_238 = arith.constant 240 : index
    %swap3A_239 = tpu.vector_load %arg9[%swap3A_238] {strides = array<i32>} : memref<320xf32, #tpu.memory_space<vmem>>, vector<16xf32>,
    tpu.vector_store %arg9[%swap3A_238], %mul3A_237 {strides = array<i32>} : memref<320xf32, #tpu.memory_space<vmem>>, vector<16xf32>,
    %add3A_240 = arith.constant 256 : i32
    %add3A_241 = arith.addi %mul3A_0, %add3A_240 : i32
    %get3A_242 = arith.index_cast %add3A_241 : i32 to index
    %get3A_243 = tpu.vector_load %arg7[%get3A_242] {strides = array<i32>} : memref<5120xf32, #tpu.memory_space<vmem>>, vector<16xf32>,
    %get3A_244 = arith.index_cast %add3A_241 : i32 to index
    %get3A_245 = tpu.vector_load %arg5[%get3A_244] {strides = array<i32>} : memref<5120xf32, #tpu.memory_space<vmem>>, vector<16xf32>,
    %sub3A_246 = arith.subf %get3A_243, %get3A_245 : vector<16xf32>
    %get3A_247 = arith.index_cast %add3A_241 : i32 to index
    %get3A_248 = tpu.vector_load %arg8[%get3A_247] {strides = array<i32>} : memref<5120xf32, #tpu.memory_space<vmem>>, vector<16xf32>,
    %get3A_249 = arith.index_cast %add3A_241 : i32 to index
    %get3A_250 = tpu.vector_load %arg6[%get3A_249] {strides = array<i32>} : memref<5120xf32, #tpu.memory_space<vmem>>, vector<16xf32>,
    %sub3A_251 = arith.subf %get3A_248, %get3A_250 : vector<16xf32>
    %mul3A_252 = arith.mulf %sub3A_246, %sub3A_251 : vector<16xf32>
    %swap3A_253 = arith.constant 256 : index
    %swap3A_254 = tpu.vector_load %arg9[%swap3A_253] {strides = array<i32>} : memref<320xf32, #tpu.memory_space<vmem>>, vector<16xf32>,
    tpu.vector_store %arg9[%swap3A_253], %mul3A_252 {strides = array<i32>} : memref<320xf32, #tpu.memory_space<vmem>>, vector<16xf32>,
    %add3A_255 = arith.constant 272 : i32
    %add3A_256 = arith.addi %mul3A_0, %add3A_255 : i32
    %get3A_257 = arith.index_cast %add3A_256 : i32 to index
    %get3A_258 = tpu.vector_load %arg7[%get3A_257] {strides = array<i32>} : memref<5120xf32, #tpu.memory_space<vmem>>, vector<16xf32>,
    %get3A_259 = arith.index_cast %add3A_256 : i32 to index
    %get3A_260 = tpu.vector_load %arg5[%get3A_259] {strides = array<i32>} : memref<5120xf32, #tpu.memory_space<vmem>>, vector<16xf32>,
    %sub3A_261 = arith.subf %get3A_258, %get3A_260 : vector<16xf32>
    %get3A_262 = arith.index_cast %add3A_256 : i32 to index
    %get3A_263 = tpu.vector_load %arg8[%get3A_262] {strides = array<i32>} : memref<5120xf32, #tpu.memory_space<vmem>>, vector<16xf32>,
    %get3A_264 = arith.index_cast %add3A_256 : i32 to index
    %get3A_265 = tpu.vector_load %arg6[%get3A_264] {strides = array<i32>} : memref<5120xf32, #tpu.memory_space<vmem>>, vector<16xf32>,
    %sub3A_266 = arith.subf %get3A_263, %get3A_265 : vector<16xf32>
    %mul3A_267 = arith.mulf %sub3A_261, %sub3A_266 : vector<16xf32>
    %swap3A_268 = arith.constant 272 : index
    %swap3A_269 = tpu.vector_load %arg9[%swap3A_268] {strides = array<i32>} : memref<320xf32, #tpu.memory_space<vmem>>, vector<16xf32>,
    tpu.vector_store %arg9[%swap3A_268], %mul3A_267 {strides = array<i32>} : memref<320xf32, #tpu.memory_space<vmem>>, vector<16xf32>,
    %add3A_270 = arith.constant 288 : i32
    %add3A_271 = arith.addi %mul3A_0, %add3A_270 : i32
    %get3A_272 = arith.index_cast %add3A_271 : i32 to index
    %get3A_273 = tpu.vector_load %arg7[%get3A_272] {strides = array<i32>} : memref<5120xf32, #tpu.memory_space<vmem>>, vector<16xf32>,
    %get3A_274 = arith.index_cast %add3A_271 : i32 to index
    %get3A_275 = tpu.vector_load %arg5[%get3A_274] {strides = array<i32>} : memref<5120xf32, #tpu.memory_space<vmem>>, vector<16xf32>,
    %sub3A_276 = arith.subf %get3A_273, %get3A_275 : vector<16xf32>
    %get3A_277 = arith.index_cast %add3A_271 : i32 to index
    %get3A_278 = tpu.vector_load %arg8[%get3A_277] {strides = array<i32>} : memref<5120xf32, #tpu.memory_space<vmem>>, vector<16xf32>,
    %get3A_279 = arith.index_cast %add3A_271 : i32 to index
    %get3A_280 = tpu.vector_load %arg6[%get3A_279] {strides = array<i32>} : memref<5120xf32, #tpu.memory_space<vmem>>, vector<16xf32>,
    %sub3A_281 = arith.subf %get3A_278, %get3A_280 : vector<16xf32>
    %mul3A_282 = arith.mulf %sub3A_276, %sub3A_281 : vector<16xf32>
    %swap3A_283 = arith.constant 288 : index
    %swap3A_284 = tpu.vector_load %arg9[%swap3A_283] {strides = array<i32>} : memref<320xf32, #tpu.memory_space<vmem>>, vector<16xf32>,
    tpu.vector_store %arg9[%swap3A_283], %mul3A_282 {strides = array<i32>} : memref<320xf32, #tpu.memory_space<vmem>>, vector<16xf32>,
    %add3A_285 = arith.constant 304 : i32
    %add3A_286 = arith.addi %mul3A_0, %add3A_285 : i32
    %get3A_287 = arith.index_cast %add3A_286 : i32 to index
    %get3A_288 = tpu.vector_load %arg7[%get3A_287] {strides = array<i32>} : memref<5120xf32, #tpu.memory_space<vmem>>, vector<16xf32>,
    %get3A_289 = arith.index_cast %add3A_286 : i32 to index
    %get3A_290 = tpu.vector_load %arg5[%get3A_289] {strides = array<i32>} : memref<5120xf32, #tpu.memory_space<vmem>>, vector<16xf32>,
    %sub3A_291 = arith.subf %get3A_288, %get3A_290 : vector<16xf32>
    %get3A_292 = arith.index_cast %add3A_286 : i32 to index
    %get3A_293 = tpu.vector_load %arg8[%get3A_292] {strides = array<i32>} : memref<5120xf32, #tpu.memory_space<vmem>>, vector<16xf32>,
    %get3A_294 = arith.index_cast %add3A_286 : i32 to index
    %get3A_295 = tpu.vector_load %arg6[%get3A_294] {strides = array<i32>} : memref<5120xf32, #tpu.memory_space<vmem>>, vector<16xf32>,
    %sub3A_296 = arith.subf %get3A_293, %get3A_295 : vector<16xf32>
    %mul3A_297 = arith.mulf %sub3A_291, %sub3A_296 : vector<16xf32>
    %swap3A_298 = arith.constant 304 : index
    %swap3A_299 = tpu.vector_load %arg9[%swap3A_298] {strides = array<i32>} : memref<320xf32, #tpu.memory_space<vmem>>, vector<16xf32>,
    tpu.vector_store %arg9[%swap3A_298], %mul3A_297 {strides = array<i32>} : memref<320xf32, #tpu.memory_space<vmem>>, vector<16xf32>,
    %iota3A = tpu.iota {dimensions = array<i32: 0>} : vector<16xi32>
    %convert_element_type3A = arith.sitofp %iota3A : vector<16xi32> to vector<16xf32>
    %convert_element_type3A_300 = arith.sitofp %mul3A_0 : i32 to f32
    %broadcast_in_dim3A = arith.constant 0.000000e+00 : f32
    %broadcast_in_dim3A_301 = vector.broadcast %broadcast_in_dim3A : f32 to vector<16xf32>
    %broadcast_in_dim3A_302 = arith.constant -1.000000e+00 : f32
    %broadcast_in_dim3A_303 = vector.broadcast %broadcast_in_dim3A_302 : f32 to vector<16xf32>
    %scan3A = arith.constant 0 : i32
    %scan3A_304 = arith.constant 100 : i32
    %scan3A_305 = arith.addi %scan3A, %scan3A_304 : i32
    %scan3A_306 = arith.constant 1 : i32
    %scan3A_307:5 = scf.for %scan3A_312 = %scan3A to %scan3A_305 step %scan3A_306 iter_args(%scan3A_313 = %broadcast_in_dim3A_303, %scan3A_314 = %broadcast_in_dim3A_301, %scan3A_315 = %broadcast_in_dim3A_301, %scan3A_316 = %broadcast_in_dim3A_301, %scan3A_317 = %broadcast_in_dim3A_301) -> (vector<16xf32>, vector<16xf32>, vector<16xf32>, vector<16xf32>, vector<16xf32>)  : i32 {
      %sub3A_318 = arith.subf %scan3A_316, %scan3A_314 : vector<16xf32>
      %sub3A_319 = arith.subf %scan3A_317, %scan3A_315 : vector<16xf32>
      %mul3A_320 = arith.mulf %sub3A_318, %sub3A_319 : vector<16xf32>
      %broadcast_in_dim3A_321 = arith.constant 0xFF800000 : f32
      %broadcast_in_dim3A_322 = vector.broadcast %broadcast_in_dim3A_321 : f32 to vector<16xf32>
      %broadcast_in_dim3A_323 = arith.constant 0.000000e+00 : f32
      %broadcast_in_dim3A_324 = vector.broadcast %broadcast_in_dim3A_323 : f32 to vector<16xf32>
      %add3A_325 = arith.constant 0 : i32
      %add3A_326 = arith.addi %mul3A_0, %add3A_325 : i32
      %get3A_327 = arith.constant 0 : index
      %get3A_328 = tpu.vector_load %arg10[%get3A_327] {strides = array<i32>} : memref<320xf32, #tpu.memory_space<vmem>>, vector<16xf32>,
      %get3A_329 = arith.index_cast %add3A_326 : i32 to index
      %get3A_330 = tpu.vector_load %arg5[%get3A_329] {strides = array<i32>} : memref<5120xf32, #tpu.memory_space<vmem>>, vector<16xf32>,
      %get3A_331 = arith.index_cast %add3A_326 : i32 to index
      %get3A_332 = tpu.vector_load %arg6[%get3A_331] {strides = array<i32>} : memref<5120xf32, #tpu.memory_space<vmem>>, vector<16xf32>,
      %get3A_333 = arith.index_cast %add3A_326 : i32 to index
      %get3A_334 = tpu.vector_load %arg7[%get3A_333] {strides = array<i32>} : memref<5120xf32, #tpu.memory_space<vmem>>, vector<16xf32>,
      %get3A_335 = arith.index_cast %add3A_326 : i32 to index
      %get3A_336 = tpu.vector_load %arg8[%get3A_335] {strides = array<i32>} : memref<5120xf32, #tpu.memory_space<vmem>>, vector<16xf32>,
      %get3A_337 = arith.constant 0 : index
      %get3A_338 = tpu.vector_load %arg9[%get3A_337] {strides = array<i32>} : memref<320xf32, #tpu.memory_space<vmem>>, vector<16xf32>,
      %max3A = arith.maximumf %scan3A_314, %get3A_330 : vector<16xf32>
      %max3A_339 = arith.maximumf %scan3A_315, %get3A_332 : vector<16xf32>
      %min3A = arith.minimumf %scan3A_316, %get3A_334 : vector<16xf32>
      %min3A_340 = arith.minimumf %scan3A_317, %get3A_336 : vector<16xf32>
      %sub3A_341 = arith.subf %min3A, %max3A : vector<16xf32>
      %max3A_342 = arith.constant 0.000000e+00 : f32
      %max3A_343 = vector.broadcast %max3A_342 : f32 to vector<16xf32>
      %max3A_344 = arith.maximumf %sub3A_341, %max3A_343 : vector<16xf32>
      %sub3A_345 = arith.subf %min3A_340, %max3A_339 : vector<16xf32>
      %max3A_346 = arith.constant 0.000000e+00 : f32
      %max3A_347 = vector.broadcast %max3A_346 : f32 to vector<16xf32>
      %max3A_348 = arith.maximumf %sub3A_345, %max3A_347 : vector<16xf32>
      %mul3A_349 = arith.mulf %max3A_344, %max3A_348 : vector<16xf32>
      %add3A_350 = arith.addf %mul3A_320, %get3A_338 : vector<16xf32>
      %sub3A_351 = arith.subf %add3A_350, %mul3A_349 : vector<16xf32>
      %add3A_352 = arith.constant 9.99999993E-9 : f32
      %add3A_353 = vector.broadcast %add3A_352 : f32 to vector<16xf32>
      %add3A_354 = arith.addf %sub3A_351, %add3A_353 : vector<16xf32>
      %div3A = arith.divf %mul3A_349, %add3A_354 : vector<16xf32>
      %add3A_355 = arith.constant 0.000000e+00 : f32
      %add3A_356 = arith.addf %convert_element_type3A_300, %add3A_355 : f32
      %add3A_357 = vector.broadcast %add3A_356 : f32 to vector<16xf32>
      %add3A_358 = arith.addf %convert_element_type3A, %add3A_357 : vector<16xf32>
      %le3A = arith.constant 5.000000e-01 : f32
      %le3A_359 = vector.broadcast %le3A : f32 to vector<16xf32>
      %le3A_360 = arith.cmpf ole, %div3A, %le3A_359 : vector<16xf32>
      %ne3A = arith.cmpf one, %add3A_358, %scan3A_313 : vector<16xf32>
      %and3A = arith.andi %le3A_360, %ne3A : vector<16xi1>
      %jit3A = arith.constant 0xFF800000 : f32
      %broadcast_in_dim3A_361 = vector.broadcast %jit3A : f32 to vector<16xf32>
      %select_n3A = arith.select %and3A, %get3A_328, %broadcast_in_dim3A_361 : vector<16xi1>, vector<16xf32>
      %swap3A_362 = arith.constant 0 : index
      %swap3A_363 = tpu.vector_load %arg10[%swap3A_362] {strides = array<i32>} : memref<320xf32, #tpu.memory_space<vmem>>, vector<16xf32>,
      tpu.vector_store %arg10[%swap3A_362], %select_n3A {strides = array<i32>} : memref<320xf32, #tpu.memory_space<vmem>>, vector<16xf32>,
      %gt3A = arith.cmpf ogt, %select_n3A, %broadcast_in_dim3A_322 : vector<16xf32>
      %select_n3A_364 = arith.select %gt3A, %select_n3A, %broadcast_in_dim3A_322 : vector<16xi1>, vector<16xf32>
      %select_n3A_365 = arith.select %gt3A, %add3A_358, %broadcast_in_dim3A_324 : vector<16xi1>, vector<16xf32>
      %add3A_366 = arith.constant 16 : i32
      %add3A_367 = arith.addi %mul3A_0, %add3A_366 : i32
      %get3A_368 = arith.constant 16 : index
      %get3A_369 = tpu.vector_load %arg10[%get3A_368] {strides = array<i32>} : memref<320xf32, #tpu.memory_space<vmem>>, vector<16xf32>,
      %get3A_370 = arith.index_cast %add3A_367 : i32 to index
      %get3A_371 = tpu.vector_load %arg5[%get3A_370] {strides = array<i32>} : memref<5120xf32, #tpu.memory_space<vmem>>, vector<16xf32>,
      %get3A_372 = arith.index_cast %add3A_367 : i32 to index
      %get3A_373 = tpu.vector_load %arg6[%get3A_372] {strides = array<i32>} : memref<5120xf32, #tpu.memory_space<vmem>>, vector<16xf32>,
      %get3A_374 = arith.index_cast %add3A_367 : i32 to index
      %get3A_375 = tpu.vector_load %arg7[%get3A_374] {strides = array<i32>} : memref<5120xf32, #tpu.memory_space<vmem>>, vector<16xf32>,
      %get3A_376 = arith.index_cast %add3A_367 : i32 to index
      %get3A_377 = tpu.vector_load %arg8[%get3A_376] {strides = array<i32>} : memref<5120xf32, #tpu.memory_space<vmem>>, vector<16xf32>,
      %get3A_378 = arith.constant 16 : index
      %get3A_379 = tpu.vector_load %arg9[%get3A_378] {strides = array<i32>} : memref<320xf32, #tpu.memory_space<vmem>>, vector<16xf32>,
      %max3A_380 = arith.maximumf %scan3A_314, %get3A_371 : vector<16xf32>
      %max3A_381 = arith.maximumf %scan3A_315, %get3A_373 : vector<16xf32>
      %min3A_382 = arith.minimumf %scan3A_316, %get3A_375 : vector<16xf32>
      %min3A_383 = arith.minimumf %scan3A_317, %get3A_377 : vector<16xf32>
      %sub3A_384 = arith.subf %min3A_382, %max3A_380 : vector<16xf32>
      %max3A_385 = arith.constant 0.000000e+00 : f32
      %max3A_386 = vector.broadcast %max3A_385 : f32 to vector<16xf32>
      %max3A_387 = arith.maximumf %sub3A_384, %max3A_386 : vector<16xf32>
      %sub3A_388 = arith.subf %min3A_383, %max3A_381 : vector<16xf32>
      %max3A_389 = arith.constant 0.000000e+00 : f32
      %max3A_390 = vector.broadcast %max3A_389 : f32 to vector<16xf32>
      %max3A_391 = arith.maximumf %sub3A_388, %max3A_390 : vector<16xf32>
      %mul3A_392 = arith.mulf %max3A_387, %max3A_391 : vector<16xf32>
      %add3A_393 = arith.addf %mul3A_320, %get3A_379 : vector<16xf32>
      %sub3A_394 = arith.subf %add3A_393, %mul3A_392 : vector<16xf32>
      %add3A_395 = arith.constant 9.99999993E-9 : f32
      %add3A_396 = vector.broadcast %add3A_395 : f32 to vector<16xf32>
      %add3A_397 = arith.addf %sub3A_394, %add3A_396 : vector<16xf32>
      %div3A_398 = arith.divf %mul3A_392, %add3A_397 : vector<16xf32>
      %add3A_399 = arith.constant 1.600000e+01 : f32
      %add3A_400 = arith.addf %convert_element_type3A_300, %add3A_399 : f32
      %add3A_401 = vector.broadcast %add3A_400 : f32 to vector<16xf32>
      %add3A_402 = arith.addf %convert_element_type3A, %add3A_401 : vector<16xf32>
      %le3A_403 = arith.constant 5.000000e-01 : f32
      %le3A_404 = vector.broadcast %le3A_403 : f32 to vector<16xf32>
      %le3A_405 = arith.cmpf ole, %div3A_398, %le3A_404 : vector<16xf32>
      %ne3A_406 = arith.cmpf one, %add3A_402, %scan3A_313 : vector<16xf32>
      %and3A_407 = arith.andi %le3A_405, %ne3A_406 : vector<16xi1>
      %jit3A_408 = arith.constant 0xFF800000 : f32
      %broadcast_in_dim3A_409 = vector.broadcast %jit3A_408 : f32 to vector<16xf32>
      %select_n3A_410 = arith.select %and3A_407, %get3A_369, %broadcast_in_dim3A_409 : vector<16xi1>, vector<16xf32>
      %swap3A_411 = arith.constant 16 : index
      %swap3A_412 = tpu.vector_load %arg10[%swap3A_411] {strides = array<i32>} : memref<320xf32, #tpu.memory_space<vmem>>, vector<16xf32>,
      tpu.vector_store %arg10[%swap3A_411], %select_n3A_410 {strides = array<i32>} : memref<320xf32, #tpu.memory_space<vmem>>, vector<16xf32>,
      %gt3A_413 = arith.cmpf ogt, %select_n3A_410, %select_n3A_364 : vector<16xf32>
      %select_n3A_414 = arith.select %gt3A_413, %select_n3A_410, %select_n3A_364 : vector<16xi1>, vector<16xf32>
      %select_n3A_415 = arith.select %gt3A_413, %add3A_402, %select_n3A_365 : vector<16xi1>, vector<16xf32>
      %add3A_416 = arith.constant 32 : i32
      %add3A_417 = arith.addi %mul3A_0, %add3A_416 : i32
      %get3A_418 = arith.constant 32 : index
      %get3A_419 = tpu.vector_load %arg10[%get3A_418] {strides = array<i32>} : memref<320xf32, #tpu.memory_space<vmem>>, vector<16xf32>,
      %get3A_420 = arith.index_cast %add3A_417 : i32 to index
      %get3A_421 = tpu.vector_load %arg5[%get3A_420] {strides = array<i32>} : memref<5120xf32, #tpu.memory_space<vmem>>, vector<16xf32>,
      %get3A_422 = arith.index_cast %add3A_417 : i32 to index
      %get3A_423 = tpu.vector_load %arg6[%get3A_422] {strides = array<i32>} : memref<5120xf32, #tpu.memory_space<vmem>>, vector<16xf32>,
      %get3A_424 = arith.index_cast %add3A_417 : i32 to index
      %get3A_425 = tpu.vector_load %arg7[%get3A_424] {strides = array<i32>} : memref<5120xf32, #tpu.memory_space<vmem>>, vector<16xf32>,
      %get3A_426 = arith.index_cast %add3A_417 : i32 to index
      %get3A_427 = tpu.vector_load %arg8[%get3A_426] {strides = array<i32>} : memref<5120xf32, #tpu.memory_space<vmem>>, vector<16xf32>,
      %get3A_428 = arith.constant 32 : index
      %get3A_429 = tpu.vector_load %arg9[%get3A_428] {strides = array<i32>} : memref<320xf32, #tpu.memory_space<vmem>>, vector<16xf32>,
      %max3A_430 = arith.maximumf %scan3A_314, %get3A_421 : vector<16xf32>
      %max3A_431 = arith.maximumf %scan3A_315, %get3A_423 : vector<16xf32>
      %min3A_432 = arith.minimumf %scan3A_316, %get3A_425 : vector<16xf32>
      %min3A_433 = arith.minimumf %scan3A_317, %get3A_427 : vector<16xf32>
      %sub3A_434 = arith.subf %min3A_432, %max3A_430 : vector<16xf32>
      %max3A_435 = arith.constant 0.000000e+00 : f32
      %max3A_436 = vector.broadcast %max3A_435 : f32 to vector<16xf32>
      %max3A_437 = arith.maximumf %sub3A_434, %max3A_436 : vector<16xf32>
      %sub3A_438 = arith.subf %min3A_433, %max3A_431 : vector<16xf32>
      %max3A_439 = arith.constant 0.000000e+00 : f32
      %max3A_440 = vector.broadcast %max3A_439 : f32 to vector<16xf32>
      %max3A_441 = arith.maximumf %sub3A_438, %max3A_440 : vector<16xf32>
      %mul3A_442 = arith.mulf %max3A_437, %max3A_441 : vector<16xf32>
      %add3A_443 = arith.addf %mul3A_320, %get3A_429 : vector<16xf32>
      %sub3A_444 = arith.subf %add3A_443, %mul3A_442 : vector<16xf32>
      %add3A_445 = arith.constant 9.99999993E-9 : f32
      %add3A_446 = vector.broadcast %add3A_445 : f32 to vector<16xf32>
      %add3A_447 = arith.addf %sub3A_444, %add3A_446 : vector<16xf32>
      %div3A_448 = arith.divf %mul3A_442, %add3A_447 : vector<16xf32>
      %add3A_449 = arith.constant 3.200000e+01 : f32
      %add3A_450 = arith.addf %convert_element_type3A_300, %add3A_449 : f32
      %add3A_451 = vector.broadcast %add3A_450 : f32 to vector<16xf32>
      %add3A_452 = arith.addf %convert_element_type3A, %add3A_451 : vector<16xf32>
      %le3A_453 = arith.constant 5.000000e-01 : f32
      %le3A_454 = vector.broadcast %le3A_453 : f32 to vector<16xf32>
      %le3A_455 = arith.cmpf ole, %div3A_448, %le3A_454 : vector<16xf32>
      %ne3A_456 = arith.cmpf one, %add3A_452, %scan3A_313 : vector<16xf32>
      %and3A_457 = arith.andi %le3A_455, %ne3A_456 : vector<16xi1>
      %jit3A_458 = arith.constant 0xFF800000 : f32
      %broadcast_in_dim3A_459 = vector.broadcast %jit3A_458 : f32 to vector<16xf32>
      %select_n3A_460 = arith.select %and3A_457, %get3A_419, %broadcast_in_dim3A_459 : vector<16xi1>, vector<16xf32>
      %swap3A_461 = arith.constant 32 : index
      %swap3A_462 = tpu.vector_load %arg10[%swap3A_461] {strides = array<i32>} : memref<320xf32, #tpu.memory_space<vmem>>, vector<16xf32>,
      tpu.vector_store %arg10[%swap3A_461], %select_n3A_460 {strides = array<i32>} : memref<320xf32, #tpu.memory_space<vmem>>, vector<16xf32>,
      %gt3A_463 = arith.cmpf ogt, %select_n3A_460, %select_n3A_414 : vector<16xf32>
      %select_n3A_464 = arith.select %gt3A_463, %select_n3A_460, %select_n3A_414 : vector<16xi1>, vector<16xf32>
      %select_n3A_465 = arith.select %gt3A_463, %add3A_452, %select_n3A_415 : vector<16xi1>, vector<16xf32>
      %add3A_466 = arith.constant 48 : i32
      %add3A_467 = arith.addi %mul3A_0, %add3A_466 : i32
      %get3A_468 = arith.constant 48 : index
      %get3A_469 = tpu.vector_load %arg10[%get3A_468] {strides = array<i32>} : memref<320xf32, #tpu.memory_space<vmem>>, vector<16xf32>,
      %get3A_470 = arith.index_cast %add3A_467 : i32 to index
      %get3A_471 = tpu.vector_load %arg5[%get3A_470] {strides = array<i32>} : memref<5120xf32, #tpu.memory_space<vmem>>, vector<16xf32>,
      %get3A_472 = arith.index_cast %add3A_467 : i32 to index
      %get3A_473 = tpu.vector_load %arg6[%get3A_472] {strides = array<i32>} : memref<5120xf32, #tpu.memory_space<vmem>>, vector<16xf32>,
      %get3A_474 = arith.index_cast %add3A_467 : i32 to index
      %get3A_475 = tpu.vector_load %arg7[%get3A_474] {strides = array<i32>} : memref<5120xf32, #tpu.memory_space<vmem>>, vector<16xf32>,
      %get3A_476 = arith.index_cast %add3A_467 : i32 to index
      %get3A_477 = tpu.vector_load %arg8[%get3A_476] {strides = array<i32>} : memref<5120xf32, #tpu.memory_space<vmem>>, vector<16xf32>,
      %get3A_478 = arith.constant 48 : index
      %get3A_479 = tpu.vector_load %arg9[%get3A_478] {strides = array<i32>} : memref<320xf32, #tpu.memory_space<vmem>>, vector<16xf32>,
      %max3A_480 = arith.maximumf %scan3A_314, %get3A_471 : vector<16xf32>
      %max3A_481 = arith.maximumf %scan3A_315, %get3A_473 : vector<16xf32>
      %min3A_482 = arith.minimumf %scan3A_316, %get3A_475 : vector<16xf32>
      %min3A_483 = arith.minimumf %scan3A_317, %get3A_477 : vector<16xf32>
      %sub3A_484 = arith.subf %min3A_482, %max3A_480 : vector<16xf32>
      %max3A_485 = arith.constant 0.000000e+00 : f32
      %max3A_486 = vector.broadcast %max3A_485 : f32 to vector<16xf32>
      %max3A_487 = arith.maximumf %sub3A_484, %max3A_486 : vector<16xf32>
      %sub3A_488 = arith.subf %min3A_483, %max3A_481 : vector<16xf32>
      %max3A_489 = arith.constant 0.000000e+00 : f32
      %max3A_490 = vector.broadcast %max3A_489 : f32 to vector<16xf32>
      %max3A_491 = arith.maximumf %sub3A_488, %max3A_490 : vector<16xf32>
      %mul3A_492 = arith.mulf %max3A_487, %max3A_491 : vector<16xf32>
      %add3A_493 = arith.addf %mul3A_320, %get3A_479 : vector<16xf32>
      %sub3A_494 = arith.subf %add3A_493, %mul3A_492 : vector<16xf32>
      %add3A_495 = arith.constant 9.99999993E-9 : f32
      %add3A_496 = vector.broadcast %add3A_495 : f32 to vector<16xf32>
      %add3A_497 = arith.addf %sub3A_494, %add3A_496 : vector<16xf32>
      %div3A_498 = arith.divf %mul3A_492, %add3A_497 : vector<16xf32>
      %add3A_499 = arith.constant 4.800000e+01 : f32
      %add3A_500 = arith.addf %convert_element_type3A_300, %add3A_499 : f32
      %add3A_501 = vector.broadcast %add3A_500 : f32 to vector<16xf32>
      %add3A_502 = arith.addf %convert_element_type3A, %add3A_501 : vector<16xf32>
      %le3A_503 = arith.constant 5.000000e-01 : f32
      %le3A_504 = vector.broadcast %le3A_503 : f32 to vector<16xf32>
      %le3A_505 = arith.cmpf ole, %div3A_498, %le3A_504 : vector<16xf32>
      %ne3A_506 = arith.cmpf one, %add3A_502, %scan3A_313 : vector<16xf32>
      %and3A_507 = arith.andi %le3A_505, %ne3A_506 : vector<16xi1>
      %jit3A_508 = arith.constant 0xFF800000 : f32
      %broadcast_in_dim3A_509 = vector.broadcast %jit3A_508 : f32 to vector<16xf32>
      %select_n3A_510 = arith.select %and3A_507, %get3A_469, %broadcast_in_dim3A_509 : vector<16xi1>, vector<16xf32>
      %swap3A_511 = arith.constant 48 : index
      %swap3A_512 = tpu.vector_load %arg10[%swap3A_511] {strides = array<i32>} : memref<320xf32, #tpu.memory_space<vmem>>, vector<16xf32>,
      tpu.vector_store %arg10[%swap3A_511], %select_n3A_510 {strides = array<i32>} : memref<320xf32, #tpu.memory_space<vmem>>, vector<16xf32>,
      %gt3A_513 = arith.cmpf ogt, %select_n3A_510, %select_n3A_464 : vector<16xf32>
      %select_n3A_514 = arith.select %gt3A_513, %select_n3A_510, %select_n3A_464 : vector<16xi1>, vector<16xf32>
      %select_n3A_515 = arith.select %gt3A_513, %add3A_502, %select_n3A_465 : vector<16xi1>, vector<16xf32>
      %add3A_516 = arith.constant 64 : i32
      %add3A_517 = arith.addi %mul3A_0, %add3A_516 : i32
      %get3A_518 = arith.constant 64 : index
      %get3A_519 = tpu.vector_load %arg10[%get3A_518] {strides = array<i32>} : memref<320xf32, #tpu.memory_space<vmem>>, vector<16xf32>,
      %get3A_520 = arith.index_cast %add3A_517 : i32 to index
      %get3A_521 = tpu.vector_load %arg5[%get3A_520] {strides = array<i32>} : memref<5120xf32, #tpu.memory_space<vmem>>, vector<16xf32>,
      %get3A_522 = arith.index_cast %add3A_517 : i32 to index
      %get3A_523 = tpu.vector_load %arg6[%get3A_522] {strides = array<i32>} : memref<5120xf32, #tpu.memory_space<vmem>>, vector<16xf32>,
      %get3A_524 = arith.index_cast %add3A_517 : i32 to index
      %get3A_525 = tpu.vector_load %arg7[%get3A_524] {strides = array<i32>} : memref<5120xf32, #tpu.memory_space<vmem>>, vector<16xf32>,
      %get3A_526 = arith.index_cast %add3A_517 : i32 to index
      %get3A_527 = tpu.vector_load %arg8[%get3A_526] {strides = array<i32>} : memref<5120xf32, #tpu.memory_space<vmem>>, vector<16xf32>,
      %get3A_528 = arith.constant 64 : index
      %get3A_529 = tpu.vector_load %arg9[%get3A_528] {strides = array<i32>} : memref<320xf32, #tpu.memory_space<vmem>>, vector<16xf32>,
      %max3A_530 = arith.maximumf %scan3A_314, %get3A_521 : vector<16xf32>
      %max3A_531 = arith.maximumf %scan3A_315, %get3A_523 : vector<16xf32>
      %min3A_532 = arith.minimumf %scan3A_316, %get3A_525 : vector<16xf32>
      %min3A_533 = arith.minimumf %scan3A_317, %get3A_527 : vector<16xf32>
      %sub3A_534 = arith.subf %min3A_532, %max3A_530 : vector<16xf32>
      %max3A_535 = arith.constant 0.000000e+00 : f32
      %max3A_536 = vector.broadcast %max3A_535 : f32 to vector<16xf32>
      %max3A_537 = arith.maximumf %sub3A_534, %max3A_536 : vector<16xf32>
      %sub3A_538 = arith.subf %min3A_533, %max3A_531 : vector<16xf32>
      %max3A_539 = arith.constant 0.000000e+00 : f32
      %max3A_540 = vector.broadcast %max3A_539 : f32 to vector<16xf32>
      %max3A_541 = arith.maximumf %sub3A_538, %max3A_540 : vector<16xf32>
      %mul3A_542 = arith.mulf %max3A_537, %max3A_541 : vector<16xf32>
      %add3A_543 = arith.addf %mul3A_320, %get3A_529 : vector<16xf32>
      %sub3A_544 = arith.subf %add3A_543, %mul3A_542 : vector<16xf32>
      %add3A_545 = arith.constant 9.99999993E-9 : f32
      %add3A_546 = vector.broadcast %add3A_545 : f32 to vector<16xf32>
      %add3A_547 = arith.addf %sub3A_544, %add3A_546 : vector<16xf32>
      %div3A_548 = arith.divf %mul3A_542, %add3A_547 : vector<16xf32>
      %add3A_549 = arith.constant 6.400000e+01 : f32
      %add3A_550 = arith.addf %convert_element_type3A_300, %add3A_549 : f32
      %add3A_551 = vector.broadcast %add3A_550 : f32 to vector<16xf32>
      %add3A_552 = arith.addf %convert_element_type3A, %add3A_551 : vector<16xf32>
      %le3A_553 = arith.constant 5.000000e-01 : f32
      %le3A_554 = vector.broadcast %le3A_553 : f32 to vector<16xf32>
      %le3A_555 = arith.cmpf ole, %div3A_548, %le3A_554 : vector<16xf32>
      %ne3A_556 = arith.cmpf one, %add3A_552, %scan3A_313 : vector<16xf32>
      %and3A_557 = arith.andi %le3A_555, %ne3A_556 : vector<16xi1>
      %jit3A_558 = arith.constant 0xFF800000 : f32
      %broadcast_in_dim3A_559 = vector.broadcast %jit3A_558 : f32 to vector<16xf32>
      %select_n3A_560 = arith.select %and3A_557, %get3A_519, %broadcast_in_dim3A_559 : vector<16xi1>, vector<16xf32>
      %swap3A_561 = arith.constant 64 : index
      %swap3A_562 = tpu.vector_load %arg10[%swap3A_561] {strides = array<i32>} : memref<320xf32, #tpu.memory_space<vmem>>, vector<16xf32>,
      tpu.vector_store %arg10[%swap3A_561], %select_n3A_560 {strides = array<i32>} : memref<320xf32, #tpu.memory_space<vmem>>, vector<16xf32>,
      %gt3A_563 = arith.cmpf ogt, %select_n3A_560, %select_n3A_514 : vector<16xf32>
      %select_n3A_564 = arith.select %gt3A_563, %select_n3A_560, %select_n3A_514 : vector<16xi1>, vector<16xf32>
      %select_n3A_565 = arith.select %gt3A_563, %add3A_552, %select_n3A_515 : vector<16xi1>, vector<16xf32>
      %add3A_566 = arith.constant 80 : i32
      %add3A_567 = arith.addi %mul3A_0, %add3A_566 : i32
      %get3A_568 = arith.constant 80 : index
      %get3A_569 = tpu.vector_load %arg10[%get3A_568] {strides = array<i32>} : memref<320xf32, #tpu.memory_space<vmem>>, vector<16xf32>,
      %get3A_570 = arith.index_cast %add3A_567 : i32 to index
      %get3A_571 = tpu.vector_load %arg5[%get3A_570] {strides = array<i32>} : memref<5120xf32, #tpu.memory_space<vmem>>, vector<16xf32>,
      %get3A_572 = arith.index_cast %add3A_567 : i32 to index
      %get3A_573 = tpu.vector_load %arg6[%get3A_572] {strides = array<i32>} : memref<5120xf32, #tpu.memory_space<vmem>>, vector<16xf32>,
      %get3A_574 = arith.index_cast %add3A_567 : i32 to index
      %get3A_575 = tpu.vector_load %arg7[%get3A_574] {strides = array<i32>} : memref<5120xf32, #tpu.memory_space<vmem>>, vector<16xf32>,
      %get3A_576 = arith.index_cast %add3A_567 : i32 to index
      %get3A_577 = tpu.vector_load %arg8[%get3A_576] {strides = array<i32>} : memref<5120xf32, #tpu.memory_space<vmem>>, vector<16xf32>,
      %get3A_578 = arith.constant 80 : index
      %get3A_579 = tpu.vector_load %arg9[%get3A_578] {strides = array<i32>} : memref<320xf32, #tpu.memory_space<vmem>>, vector<16xf32>,
      %max3A_580 = arith.maximumf %scan3A_314, %get3A_571 : vector<16xf32>
      %max3A_581 = arith.maximumf %scan3A_315, %get3A_573 : vector<16xf32>
      %min3A_582 = arith.minimumf %scan3A_316, %get3A_575 : vector<16xf32>
      %min3A_583 = arith.minimumf %scan3A_317, %get3A_577 : vector<16xf32>
      %sub3A_584 = arith.subf %min3A_582, %max3A_580 : vector<16xf32>
      %max3A_585 = arith.constant 0.000000e+00 : f32
      %max3A_586 = vector.broadcast %max3A_585 : f32 to vector<16xf32>
      %max3A_587 = arith.maximumf %sub3A_584, %max3A_586 : vector<16xf32>
      %sub3A_588 = arith.subf %min3A_583, %max3A_581 : vector<16xf32>
      %max3A_589 = arith.constant 0.000000e+00 : f32
      %max3A_590 = vector.broadcast %max3A_589 : f32 to vector<16xf32>
      %max3A_591 = arith.maximumf %sub3A_588, %max3A_590 : vector<16xf32>
      %mul3A_592 = arith.mulf %max3A_587, %max3A_591 : vector<16xf32>
      %add3A_593 = arith.addf %mul3A_320, %get3A_579 : vector<16xf32>
      %sub3A_594 = arith.subf %add3A_593, %mul3A_592 : vector<16xf32>
      %add3A_595 = arith.constant 9.99999993E-9 : f32
      %add3A_596 = vector.broadcast %add3A_595 : f32 to vector<16xf32>
      %add3A_597 = arith.addf %sub3A_594, %add3A_596 : vector<16xf32>
      %div3A_598 = arith.divf %mul3A_592, %add3A_597 : vector<16xf32>
      %add3A_599 = arith.constant 8.000000e+01 : f32
      %add3A_600 = arith.addf %convert_element_type3A_300, %add3A_599 : f32
      %add3A_601 = vector.broadcast %add3A_600 : f32 to vector<16xf32>
      %add3A_602 = arith.addf %convert_element_type3A, %add3A_601 : vector<16xf32>
      %le3A_603 = arith.constant 5.000000e-01 : f32
      %le3A_604 = vector.broadcast %le3A_603 : f32 to vector<16xf32>
      %le3A_605 = arith.cmpf ole, %div3A_598, %le3A_604 : vector<16xf32>
      %ne3A_606 = arith.cmpf one, %add3A_602, %scan3A_313 : vector<16xf32>
      %and3A_607 = arith.andi %le3A_605, %ne3A_606 : vector<16xi1>
      %jit3A_608 = arith.constant 0xFF800000 : f32
      %broadcast_in_dim3A_609 = vector.broadcast %jit3A_608 : f32 to vector<16xf32>
      %select_n3A_610 = arith.select %and3A_607, %get3A_569, %broadcast_in_dim3A_609 : vector<16xi1>, vector<16xf32>
      %swap3A_611 = arith.constant 80 : index
      %swap3A_612 = tpu.vector_load %arg10[%swap3A_611] {strides = array<i32>} : memref<320xf32, #tpu.memory_space<vmem>>, vector<16xf32>,
      tpu.vector_store %arg10[%swap3A_611], %select_n3A_610 {strides = array<i32>} : memref<320xf32, #tpu.memory_space<vmem>>, vector<16xf32>,
      %gt3A_613 = arith.cmpf ogt, %select_n3A_610, %select_n3A_564 : vector<16xf32>
      %select_n3A_614 = arith.select %gt3A_613, %select_n3A_610, %select_n3A_564 : vector<16xi1>, vector<16xf32>
      %select_n3A_615 = arith.select %gt3A_613, %add3A_602, %select_n3A_565 : vector<16xi1>, vector<16xf32>
      %add3A_616 = arith.constant 96 : i32
      %add3A_617 = arith.addi %mul3A_0, %add3A_616 : i32
      %get3A_618 = arith.constant 96 : index
      %get3A_619 = tpu.vector_load %arg10[%get3A_618] {strides = array<i32>} : memref<320xf32, #tpu.memory_space<vmem>>, vector<16xf32>,
      %get3A_620 = arith.index_cast %add3A_617 : i32 to index
      %get3A_621 = tpu.vector_load %arg5[%get3A_620] {strides = array<i32>} : memref<5120xf32, #tpu.memory_space<vmem>>, vector<16xf32>,
      %get3A_622 = arith.index_cast %add3A_617 : i32 to index
      %get3A_623 = tpu.vector_load %arg6[%get3A_622] {strides = array<i32>} : memref<5120xf32, #tpu.memory_space<vmem>>, vector<16xf32>,
      %get3A_624 = arith.index_cast %add3A_617 : i32 to index
      %get3A_625 = tpu.vector_load %arg7[%get3A_624] {strides = array<i32>} : memref<5120xf32, #tpu.memory_space<vmem>>, vector<16xf32>,
      %get3A_626 = arith.index_cast %add3A_617 : i32 to index
      %get3A_627 = tpu.vector_load %arg8[%get3A_626] {strides = array<i32>} : memref<5120xf32, #tpu.memory_space<vmem>>, vector<16xf32>,
      %get3A_628 = arith.constant 96 : index
      %get3A_629 = tpu.vector_load %arg9[%get3A_628] {strides = array<i32>} : memref<320xf32, #tpu.memory_space<vmem>>, vector<16xf32>,
      %max3A_630 = arith.maximumf %scan3A_314, %get3A_621 : vector<16xf32>
      %max3A_631 = arith.maximumf %scan3A_315, %get3A_623 : vector<16xf32>
      %min3A_632 = arith.minimumf %scan3A_316, %get3A_625 : vector<16xf32>
      %min3A_633 = arith.minimumf %scan3A_317, %get3A_627 : vector<16xf32>
      %sub3A_634 = arith.subf %min3A_632, %max3A_630 : vector<16xf32>
      %max3A_635 = arith.constant 0.000000e+00 : f32
      %max3A_636 = vector.broadcast %max3A_635 : f32 to vector<16xf32>
      %max3A_637 = arith.maximumf %sub3A_634, %max3A_636 : vector<16xf32>
      %sub3A_638 = arith.subf %min3A_633, %max3A_631 : vector<16xf32>
      %max3A_639 = arith.constant 0.000000e+00 : f32
      %max3A_640 = vector.broadcast %max3A_639 : f32 to vector<16xf32>
      %max3A_641 = arith.maximumf %sub3A_638, %max3A_640 : vector<16xf32>
      %mul3A_642 = arith.mulf %max3A_637, %max3A_641 : vector<16xf32>
      %add3A_643 = arith.addf %mul3A_320, %get3A_629 : vector<16xf32>
      %sub3A_644 = arith.subf %add3A_643, %mul3A_642 : vector<16xf32>
      %add3A_645 = arith.constant 9.99999993E-9 : f32
      %add3A_646 = vector.broadcast %add3A_645 : f32 to vector<16xf32>
      %add3A_647 = arith.addf %sub3A_644, %add3A_646 : vector<16xf32>
      %div3A_648 = arith.divf %mul3A_642, %add3A_647 : vector<16xf32>
      %add3A_649 = arith.constant 9.600000e+01 : f32
      %add3A_650 = arith.addf %convert_element_type3A_300, %add3A_649 : f32
      %add3A_651 = vector.broadcast %add3A_650 : f32 to vector<16xf32>
      %add3A_652 = arith.addf %convert_element_type3A, %add3A_651 : vector<16xf32>
      %le3A_653 = arith.constant 5.000000e-01 : f32
      %le3A_654 = vector.broadcast %le3A_653 : f32 to vector<16xf32>
      %le3A_655 = arith.cmpf ole, %div3A_648, %le3A_654 : vector<16xf32>
      %ne3A_656 = arith.cmpf one, %add3A_652, %scan3A_313 : vector<16xf32>
      %and3A_657 = arith.andi %le3A_655, %ne3A_656 : vector<16xi1>
      %jit3A_658 = arith.constant 0xFF800000 : f32
      %broadcast_in_dim3A_659 = vector.broadcast %jit3A_658 : f32 to vector<16xf32>
      %select_n3A_660 = arith.select %and3A_657, %get3A_619, %broadcast_in_dim3A_659 : vector<16xi1>, vector<16xf32>
      %swap3A_661 = arith.constant 96 : index
      %swap3A_662 = tpu.vector_load %arg10[%swap3A_661] {strides = array<i32>} : memref<320xf32, #tpu.memory_space<vmem>>, vector<16xf32>,
      tpu.vector_store %arg10[%swap3A_661], %select_n3A_660 {strides = array<i32>} : memref<320xf32, #tpu.memory_space<vmem>>, vector<16xf32>,
      %gt3A_663 = arith.cmpf ogt, %select_n3A_660, %select_n3A_614 : vector<16xf32>
      %select_n3A_664 = arith.select %gt3A_663, %select_n3A_660, %select_n3A_614 : vector<16xi1>, vector<16xf32>
      %select_n3A_665 = arith.select %gt3A_663, %add3A_652, %select_n3A_615 : vector<16xi1>, vector<16xf32>
      %add3A_666 = arith.constant 112 : i32
      %add3A_667 = arith.addi %mul3A_0, %add3A_666 : i32
      %get3A_668 = arith.constant 112 : index
      %get3A_669 = tpu.vector_load %arg10[%get3A_668] {strides = array<i32>} : memref<320xf32, #tpu.memory_space<vmem>>, vector<16xf32>,
      %get3A_670 = arith.index_cast %add3A_667 : i32 to index
      %get3A_671 = tpu.vector_load %arg5[%get3A_670] {strides = array<i32>} : memref<5120xf32, #tpu.memory_space<vmem>>, vector<16xf32>,
      %get3A_672 = arith.index_cast %add3A_667 : i32 to index
      %get3A_673 = tpu.vector_load %arg6[%get3A_672] {strides = array<i32>} : memref<5120xf32, #tpu.memory_space<vmem>>, vector<16xf32>,
      %get3A_674 = arith.index_cast %add3A_667 : i32 to index
      %get3A_675 = tpu.vector_load %arg7[%get3A_674] {strides = array<i32>} : memref<5120xf32, #tpu.memory_space<vmem>>, vector<16xf32>,
      %get3A_676 = arith.index_cast %add3A_667 : i32 to index
      %get3A_677 = tpu.vector_load %arg8[%get3A_676] {strides = array<i32>} : memref<5120xf32, #tpu.memory_space<vmem>>, vector<16xf32>,
      %get3A_678 = arith.constant 112 : index
      %get3A_679 = tpu.vector_load %arg9[%get3A_678] {strides = array<i32>} : memref<320xf32, #tpu.memory_space<vmem>>, vector<16xf32>,
      %max3A_680 = arith.maximumf %scan3A_314, %get3A_671 : vector<16xf32>
      %max3A_681 = arith.maximumf %scan3A_315, %get3A_673 : vector<16xf32>
      %min3A_682 = arith.minimumf %scan3A_316, %get3A_675 : vector<16xf32>
      %min3A_683 = arith.minimumf %scan3A_317, %get3A_677 : vector<16xf32>
      %sub3A_684 = arith.subf %min3A_682, %max3A_680 : vector<16xf32>
      %max3A_685 = arith.constant 0.000000e+00 : f32
      %max3A_686 = vector.broadcast %max3A_685 : f32 to vector<16xf32>
      %max3A_687 = arith.maximumf %sub3A_684, %max3A_686 : vector<16xf32>
      %sub3A_688 = arith.subf %min3A_683, %max3A_681 : vector<16xf32>
      %max3A_689 = arith.constant 0.000000e+00 : f32
      %max3A_690 = vector.broadcast %max3A_689 : f32 to vector<16xf32>
      %max3A_691 = arith.maximumf %sub3A_688, %max3A_690 : vector<16xf32>
      %mul3A_692 = arith.mulf %max3A_687, %max3A_691 : vector<16xf32>
      %add3A_693 = arith.addf %mul3A_320, %get3A_679 : vector<16xf32>
      %sub3A_694 = arith.subf %add3A_693, %mul3A_692 : vector<16xf32>
      %add3A_695 = arith.constant 9.99999993E-9 : f32
      %add3A_696 = vector.broadcast %add3A_695 : f32 to vector<16xf32>
      %add3A_697 = arith.addf %sub3A_694, %add3A_696 : vector<16xf32>
      %div3A_698 = arith.divf %mul3A_692, %add3A_697 : vector<16xf32>
      %add3A_699 = arith.constant 1.120000e+02 : f32
      %add3A_700 = arith.addf %convert_element_type3A_300, %add3A_699 : f32
      %add3A_701 = vector.broadcast %add3A_700 : f32 to vector<16xf32>
      %add3A_702 = arith.addf %convert_element_type3A, %add3A_701 : vector<16xf32>
      %le3A_703 = arith.constant 5.000000e-01 : f32
      %le3A_704 = vector.broadcast %le3A_703 : f32 to vector<16xf32>
      %le3A_705 = arith.cmpf ole, %div3A_698, %le3A_704 : vector<16xf32>
      %ne3A_706 = arith.cmpf one, %add3A_702, %scan3A_313 : vector<16xf32>
      %and3A_707 = arith.andi %le3A_705, %ne3A_706 : vector<16xi1>
      %jit3A_708 = arith.constant 0xFF800000 : f32
      %broadcast_in_dim3A_709 = vector.broadcast %jit3A_708 : f32 to vector<16xf32>
      %select_n3A_710 = arith.select %and3A_707, %get3A_669, %broadcast_in_dim3A_709 : vector<16xi1>, vector<16xf32>
      %swap3A_711 = arith.constant 112 : index
      %swap3A_712 = tpu.vector_load %arg10[%swap3A_711] {strides = array<i32>} : memref<320xf32, #tpu.memory_space<vmem>>, vector<16xf32>,
      tpu.vector_store %arg10[%swap3A_711], %select_n3A_710 {strides = array<i32>} : memref<320xf32, #tpu.memory_space<vmem>>, vector<16xf32>,
      %gt3A_713 = arith.cmpf ogt, %select_n3A_710, %select_n3A_664 : vector<16xf32>
      %select_n3A_714 = arith.select %gt3A_713, %select_n3A_710, %select_n3A_664 : vector<16xi1>, vector<16xf32>
      %select_n3A_715 = arith.select %gt3A_713, %add3A_702, %select_n3A_665 : vector<16xi1>, vector<16xf32>
      %add3A_716 = arith.constant 128 : i32
      %add3A_717 = arith.addi %mul3A_0, %add3A_716 : i32
      %get3A_718 = arith.constant 128 : index
      %get3A_719 = tpu.vector_load %arg10[%get3A_718] {strides = array<i32>} : memref<320xf32, #tpu.memory_space<vmem>>, vector<16xf32>,
      %get3A_720 = arith.index_cast %add3A_717 : i32 to index
      %get3A_721 = tpu.vector_load %arg5[%get3A_720] {strides = array<i32>} : memref<5120xf32, #tpu.memory_space<vmem>>, vector<16xf32>,
      %get3A_722 = arith.index_cast %add3A_717 : i32 to index
      %get3A_723 = tpu.vector_load %arg6[%get3A_722] {strides = array<i32>} : memref<5120xf32, #tpu.memory_space<vmem>>, vector<16xf32>,
      %get3A_724 = arith.index_cast %add3A_717 : i32 to index
      %get3A_725 = tpu.vector_load %arg7[%get3A_724] {strides = array<i32>} : memref<5120xf32, #tpu.memory_space<vmem>>, vector<16xf32>,
      %get3A_726 = arith.index_cast %add3A_717 : i32 to index
      %get3A_727 = tpu.vector_load %arg8[%get3A_726] {strides = array<i32>} : memref<5120xf32, #tpu.memory_space<vmem>>, vector<16xf32>,
      %get3A_728 = arith.constant 128 : index
      %get3A_729 = tpu.vector_load %arg9[%get3A_728] {strides = array<i32>} : memref<320xf32, #tpu.memory_space<vmem>>, vector<16xf32>,
      %max3A_730 = arith.maximumf %scan3A_314, %get3A_721 : vector<16xf32>
      %max3A_731 = arith.maximumf %scan3A_315, %get3A_723 : vector<16xf32>
      %min3A_732 = arith.minimumf %scan3A_316, %get3A_725 : vector<16xf32>
      %min3A_733 = arith.minimumf %scan3A_317, %get3A_727 : vector<16xf32>
      %sub3A_734 = arith.subf %min3A_732, %max3A_730 : vector<16xf32>
      %max3A_735 = arith.constant 0.000000e+00 : f32
      %max3A_736 = vector.broadcast %max3A_735 : f32 to vector<16xf32>
      %max3A_737 = arith.maximumf %sub3A_734, %max3A_736 : vector<16xf32>
      %sub3A_738 = arith.subf %min3A_733, %max3A_731 : vector<16xf32>
      %max3A_739 = arith.constant 0.000000e+00 : f32
      %max3A_740 = vector.broadcast %max3A_739 : f32 to vector<16xf32>
      %max3A_741 = arith.maximumf %sub3A_738, %max3A_740 : vector<16xf32>
      %mul3A_742 = arith.mulf %max3A_737, %max3A_741 : vector<16xf32>
      %add3A_743 = arith.addf %mul3A_320, %get3A_729 : vector<16xf32>
      %sub3A_744 = arith.subf %add3A_743, %mul3A_742 : vector<16xf32>
      %add3A_745 = arith.constant 9.99999993E-9 : f32
      %add3A_746 = vector.broadcast %add3A_745 : f32 to vector<16xf32>
      %add3A_747 = arith.addf %sub3A_744, %add3A_746 : vector<16xf32>
      %div3A_748 = arith.divf %mul3A_742, %add3A_747 : vector<16xf32>
      %add3A_749 = arith.constant 1.280000e+02 : f32
      %add3A_750 = arith.addf %convert_element_type3A_300, %add3A_749 : f32
      %add3A_751 = vector.broadcast %add3A_750 : f32 to vector<16xf32>
      %add3A_752 = arith.addf %convert_element_type3A, %add3A_751 : vector<16xf32>
      %le3A_753 = arith.constant 5.000000e-01 : f32
      %le3A_754 = vector.broadcast %le3A_753 : f32 to vector<16xf32>
      %le3A_755 = arith.cmpf ole, %div3A_748, %le3A_754 : vector<16xf32>
      %ne3A_756 = arith.cmpf one, %add3A_752, %scan3A_313 : vector<16xf32>
      %and3A_757 = arith.andi %le3A_755, %ne3A_756 : vector<16xi1>
      %jit3A_758 = arith.constant 0xFF800000 : f32
      %broadcast_in_dim3A_759 = vector.broadcast %jit3A_758 : f32 to vector<16xf32>
      %select_n3A_760 = arith.select %and3A_757, %get3A_719, %broadcast_in_dim3A_759 : vector<16xi1>, vector<16xf32>
      %swap3A_761 = arith.constant 128 : index
      %swap3A_762 = tpu.vector_load %arg10[%swap3A_761] {strides = array<i32>} : memref<320xf32, #tpu.memory_space<vmem>>, vector<16xf32>,
      tpu.vector_store %arg10[%swap3A_761], %select_n3A_760 {strides = array<i32>} : memref<320xf32, #tpu.memory_space<vmem>>, vector<16xf32>,
      %gt3A_763 = arith.cmpf ogt, %select_n3A_760, %select_n3A_714 : vector<16xf32>
      %select_n3A_764 = arith.select %gt3A_763, %select_n3A_760, %select_n3A_714 : vector<16xi1>, vector<16xf32>
      %select_n3A_765 = arith.select %gt3A_763, %add3A_752, %select_n3A_715 : vector<16xi1>, vector<16xf32>
      %add3A_766 = arith.constant 144 : i32
      %add3A_767 = arith.addi %mul3A_0, %add3A_766 : i32
      %get3A_768 = arith.constant 144 : index
      %get3A_769 = tpu.vector_load %arg10[%get3A_768] {strides = array<i32>} : memref<320xf32, #tpu.memory_space<vmem>>, vector<16xf32>,
      %get3A_770 = arith.index_cast %add3A_767 : i32 to index
      %get3A_771 = tpu.vector_load %arg5[%get3A_770] {strides = array<i32>} : memref<5120xf32, #tpu.memory_space<vmem>>, vector<16xf32>,
      %get3A_772 = arith.index_cast %add3A_767 : i32 to index
      %get3A_773 = tpu.vector_load %arg6[%get3A_772] {strides = array<i32>} : memref<5120xf32, #tpu.memory_space<vmem>>, vector<16xf32>,
      %get3A_774 = arith.index_cast %add3A_767 : i32 to index
      %get3A_775 = tpu.vector_load %arg7[%get3A_774] {strides = array<i32>} : memref<5120xf32, #tpu.memory_space<vmem>>, vector<16xf32>,
      %get3A_776 = arith.index_cast %add3A_767 : i32 to index
      %get3A_777 = tpu.vector_load %arg8[%get3A_776] {strides = array<i32>} : memref<5120xf32, #tpu.memory_space<vmem>>, vector<16xf32>,
      %get3A_778 = arith.constant 144 : index
      %get3A_779 = tpu.vector_load %arg9[%get3A_778] {strides = array<i32>} : memref<320xf32, #tpu.memory_space<vmem>>, vector<16xf32>,
      %max3A_780 = arith.maximumf %scan3A_314, %get3A_771 : vector<16xf32>
      %max3A_781 = arith.maximumf %scan3A_315, %get3A_773 : vector<16xf32>
      %min3A_782 = arith.minimumf %scan3A_316, %get3A_775 : vector<16xf32>
      %min3A_783 = arith.minimumf %scan3A_317, %get3A_777 : vector<16xf32>
      %sub3A_784 = arith.subf %min3A_782, %max3A_780 : vector<16xf32>
      %max3A_785 = arith.constant 0.000000e+00 : f32
      %max3A_786 = vector.broadcast %max3A_785 : f32 to vector<16xf32>
      %max3A_787 = arith.maximumf %sub3A_784, %max3A_786 : vector<16xf32>
      %sub3A_788 = arith.subf %min3A_783, %max3A_781 : vector<16xf32>
      %max3A_789 = arith.constant 0.000000e+00 : f32
      %max3A_790 = vector.broadcast %max3A_789 : f32 to vector<16xf32>
      %max3A_791 = arith.maximumf %sub3A_788, %max3A_790 : vector<16xf32>
      %mul3A_792 = arith.mulf %max3A_787, %max3A_791 : vector<16xf32>
      %add3A_793 = arith.addf %mul3A_320, %get3A_779 : vector<16xf32>
      %sub3A_794 = arith.subf %add3A_793, %mul3A_792 : vector<16xf32>
      %add3A_795 = arith.constant 9.99999993E-9 : f32
      %add3A_796 = vector.broadcast %add3A_795 : f32 to vector<16xf32>
      %add3A_797 = arith.addf %sub3A_794, %add3A_796 : vector<16xf32>
      %div3A_798 = arith.divf %mul3A_792, %add3A_797 : vector<16xf32>
      %add3A_799 = arith.constant 1.440000e+02 : f32
      %add3A_800 = arith.addf %convert_element_type3A_300, %add3A_799 : f32
      %add3A_801 = vector.broadcast %add3A_800 : f32 to vector<16xf32>
      %add3A_802 = arith.addf %convert_element_type3A, %add3A_801 : vector<16xf32>
      %le3A_803 = arith.constant 5.000000e-01 : f32
      %le3A_804 = vector.broadcast %le3A_803 : f32 to vector<16xf32>
      %le3A_805 = arith.cmpf ole, %div3A_798, %le3A_804 : vector<16xf32>
      %ne3A_806 = arith.cmpf one, %add3A_802, %scan3A_313 : vector<16xf32>
      %and3A_807 = arith.andi %le3A_805, %ne3A_806 : vector<16xi1>
      %jit3A_808 = arith.constant 0xFF800000 : f32
      %broadcast_in_dim3A_809 = vector.broadcast %jit3A_808 : f32 to vector<16xf32>
      %select_n3A_810 = arith.select %and3A_807, %get3A_769, %broadcast_in_dim3A_809 : vector<16xi1>, vector<16xf32>
      %swap3A_811 = arith.constant 144 : index
      %swap3A_812 = tpu.vector_load %arg10[%swap3A_811] {strides = array<i32>} : memref<320xf32, #tpu.memory_space<vmem>>, vector<16xf32>,
      tpu.vector_store %arg10[%swap3A_811], %select_n3A_810 {strides = array<i32>} : memref<320xf32, #tpu.memory_space<vmem>>, vector<16xf32>,
      %gt3A_813 = arith.cmpf ogt, %select_n3A_810, %select_n3A_764 : vector<16xf32>
      %select_n3A_814 = arith.select %gt3A_813, %select_n3A_810, %select_n3A_764 : vector<16xi1>, vector<16xf32>
      %select_n3A_815 = arith.select %gt3A_813, %add3A_802, %select_n3A_765 : vector<16xi1>, vector<16xf32>
      %add3A_816 = arith.constant 160 : i32
      %add3A_817 = arith.addi %mul3A_0, %add3A_816 : i32
      %get3A_818 = arith.constant 160 : index
      %get3A_819 = tpu.vector_load %arg10[%get3A_818] {strides = array<i32>} : memref<320xf32, #tpu.memory_space<vmem>>, vector<16xf32>,
      %get3A_820 = arith.index_cast %add3A_817 : i32 to index
      %get3A_821 = tpu.vector_load %arg5[%get3A_820] {strides = array<i32>} : memref<5120xf32, #tpu.memory_space<vmem>>, vector<16xf32>,
      %get3A_822 = arith.index_cast %add3A_817 : i32 to index
      %get3A_823 = tpu.vector_load %arg6[%get3A_822] {strides = array<i32>} : memref<5120xf32, #tpu.memory_space<vmem>>, vector<16xf32>,
      %get3A_824 = arith.index_cast %add3A_817 : i32 to index
      %get3A_825 = tpu.vector_load %arg7[%get3A_824] {strides = array<i32>} : memref<5120xf32, #tpu.memory_space<vmem>>, vector<16xf32>,
      %get3A_826 = arith.index_cast %add3A_817 : i32 to index
      %get3A_827 = tpu.vector_load %arg8[%get3A_826] {strides = array<i32>} : memref<5120xf32, #tpu.memory_space<vmem>>, vector<16xf32>,
      %get3A_828 = arith.constant 160 : index
      %get3A_829 = tpu.vector_load %arg9[%get3A_828] {strides = array<i32>} : memref<320xf32, #tpu.memory_space<vmem>>, vector<16xf32>,
      %max3A_830 = arith.maximumf %scan3A_314, %get3A_821 : vector<16xf32>
      %max3A_831 = arith.maximumf %scan3A_315, %get3A_823 : vector<16xf32>
      %min3A_832 = arith.minimumf %scan3A_316, %get3A_825 : vector<16xf32>
      %min3A_833 = arith.minimumf %scan3A_317, %get3A_827 : vector<16xf32>
      %sub3A_834 = arith.subf %min3A_832, %max3A_830 : vector<16xf32>
      %max3A_835 = arith.constant 0.000000e+00 : f32
      %max3A_836 = vector.broadcast %max3A_835 : f32 to vector<16xf32>
      %max3A_837 = arith.maximumf %sub3A_834, %max3A_836 : vector<16xf32>
      %sub3A_838 = arith.subf %min3A_833, %max3A_831 : vector<16xf32>
      %max3A_839 = arith.constant 0.000000e+00 : f32
      %max3A_840 = vector.broadcast %max3A_839 : f32 to vector<16xf32>
      %max3A_841 = arith.maximumf %sub3A_838, %max3A_840 : vector<16xf32>
      %mul3A_842 = arith.mulf %max3A_837, %max3A_841 : vector<16xf32>
      %add3A_843 = arith.addf %mul3A_320, %get3A_829 : vector<16xf32>
      %sub3A_844 = arith.subf %add3A_843, %mul3A_842 : vector<16xf32>
      %add3A_845 = arith.constant 9.99999993E-9 : f32
      %add3A_846 = vector.broadcast %add3A_845 : f32 to vector<16xf32>
      %add3A_847 = arith.addf %sub3A_844, %add3A_846 : vector<16xf32>
      %div3A_848 = arith.divf %mul3A_842, %add3A_847 : vector<16xf32>
      %add3A_849 = arith.constant 1.600000e+02 : f32
      %add3A_850 = arith.addf %convert_element_type3A_300, %add3A_849 : f32
      %add3A_851 = vector.broadcast %add3A_850 : f32 to vector<16xf32>
      %add3A_852 = arith.addf %convert_element_type3A, %add3A_851 : vector<16xf32>
      %le3A_853 = arith.constant 5.000000e-01 : f32
      %le3A_854 = vector.broadcast %le3A_853 : f32 to vector<16xf32>
      %le3A_855 = arith.cmpf ole, %div3A_848, %le3A_854 : vector<16xf32>
      %ne3A_856 = arith.cmpf one, %add3A_852, %scan3A_313 : vector<16xf32>
      %and3A_857 = arith.andi %le3A_855, %ne3A_856 : vector<16xi1>
      %jit3A_858 = arith.constant 0xFF800000 : f32
      %broadcast_in_dim3A_859 = vector.broadcast %jit3A_858 : f32 to vector<16xf32>
      %select_n3A_860 = arith.select %and3A_857, %get3A_819, %broadcast_in_dim3A_859 : vector<16xi1>, vector<16xf32>
      %swap3A_861 = arith.constant 160 : index
      %swap3A_862 = tpu.vector_load %arg10[%swap3A_861] {strides = array<i32>} : memref<320xf32, #tpu.memory_space<vmem>>, vector<16xf32>,
      tpu.vector_store %arg10[%swap3A_861], %select_n3A_860 {strides = array<i32>} : memref<320xf32, #tpu.memory_space<vmem>>, vector<16xf32>,
      %gt3A_863 = arith.cmpf ogt, %select_n3A_860, %select_n3A_814 : vector<16xf32>
      %select_n3A_864 = arith.select %gt3A_863, %select_n3A_860, %select_n3A_814 : vector<16xi1>, vector<16xf32>
      %select_n3A_865 = arith.select %gt3A_863, %add3A_852, %select_n3A_815 : vector<16xi1>, vector<16xf32>
      %add3A_866 = arith.constant 176 : i32
      %add3A_867 = arith.addi %mul3A_0, %add3A_866 : i32
      %get3A_868 = arith.constant 176 : index
      %get3A_869 = tpu.vector_load %arg10[%get3A_868] {strides = array<i32>} : memref<320xf32, #tpu.memory_space<vmem>>, vector<16xf32>,
      %get3A_870 = arith.index_cast %add3A_867 : i32 to index
      %get3A_871 = tpu.vector_load %arg5[%get3A_870] {strides = array<i32>} : memref<5120xf32, #tpu.memory_space<vmem>>, vector<16xf32>,
      %get3A_872 = arith.index_cast %add3A_867 : i32 to index
      %get3A_873 = tpu.vector_load %arg6[%get3A_872] {strides = array<i32>} : memref<5120xf32, #tpu.memory_space<vmem>>, vector<16xf32>,
      %get3A_874 = arith.index_cast %add3A_867 : i32 to index
      %get3A_875 = tpu.vector_load %arg7[%get3A_874] {strides = array<i32>} : memref<5120xf32, #tpu.memory_space<vmem>>, vector<16xf32>,
      %get3A_876 = arith.index_cast %add3A_867 : i32 to index
      %get3A_877 = tpu.vector_load %arg8[%get3A_876] {strides = array<i32>} : memref<5120xf32, #tpu.memory_space<vmem>>, vector<16xf32>,
      %get3A_878 = arith.constant 176 : index
      %get3A_879 = tpu.vector_load %arg9[%get3A_878] {strides = array<i32>} : memref<320xf32, #tpu.memory_space<vmem>>, vector<16xf32>,
      %max3A_880 = arith.maximumf %scan3A_314, %get3A_871 : vector<16xf32>
      %max3A_881 = arith.maximumf %scan3A_315, %get3A_873 : vector<16xf32>
      %min3A_882 = arith.minimumf %scan3A_316, %get3A_875 : vector<16xf32>
      %min3A_883 = arith.minimumf %scan3A_317, %get3A_877 : vector<16xf32>
      %sub3A_884 = arith.subf %min3A_882, %max3A_880 : vector<16xf32>
      %max3A_885 = arith.constant 0.000000e+00 : f32
      %max3A_886 = vector.broadcast %max3A_885 : f32 to vector<16xf32>
      %max3A_887 = arith.maximumf %sub3A_884, %max3A_886 : vector<16xf32>
      %sub3A_888 = arith.subf %min3A_883, %max3A_881 : vector<16xf32>
      %max3A_889 = arith.constant 0.000000e+00 : f32
      %max3A_890 = vector.broadcast %max3A_889 : f32 to vector<16xf32>
      %max3A_891 = arith.maximumf %sub3A_888, %max3A_890 : vector<16xf32>
      %mul3A_892 = arith.mulf %max3A_887, %max3A_891 : vector<16xf32>
      %add3A_893 = arith.addf %mul3A_320, %get3A_879 : vector<16xf32>
      %sub3A_894 = arith.subf %add3A_893, %mul3A_892 : vector<16xf32>
      %add3A_895 = arith.constant 9.99999993E-9 : f32
      %add3A_896 = vector.broadcast %add3A_895 : f32 to vector<16xf32>
      %add3A_897 = arith.addf %sub3A_894, %add3A_896 : vector<16xf32>
      %div3A_898 = arith.divf %mul3A_892, %add3A_897 : vector<16xf32>
      %add3A_899 = arith.constant 1.760000e+02 : f32
      %add3A_900 = arith.addf %convert_element_type3A_300, %add3A_899 : f32
      %add3A_901 = vector.broadcast %add3A_900 : f32 to vector<16xf32>
      %add3A_902 = arith.addf %convert_element_type3A, %add3A_901 : vector<16xf32>
      %le3A_903 = arith.constant 5.000000e-01 : f32
      %le3A_904 = vector.broadcast %le3A_903 : f32 to vector<16xf32>
      %le3A_905 = arith.cmpf ole, %div3A_898, %le3A_904 : vector<16xf32>
      %ne3A_906 = arith.cmpf one, %add3A_902, %scan3A_313 : vector<16xf32>
      %and3A_907 = arith.andi %le3A_905, %ne3A_906 : vector<16xi1>
      %jit3A_908 = arith.constant 0xFF800000 : f32
      %broadcast_in_dim3A_909 = vector.broadcast %jit3A_908 : f32 to vector<16xf32>
      %select_n3A_910 = arith.select %and3A_907, %get3A_869, %broadcast_in_dim3A_909 : vector<16xi1>, vector<16xf32>
      %swap3A_911 = arith.constant 176 : index
      %swap3A_912 = tpu.vector_load %arg10[%swap3A_911] {strides = array<i32>} : memref<320xf32, #tpu.memory_space<vmem>>, vector<16xf32>,
      tpu.vector_store %arg10[%swap3A_911], %select_n3A_910 {strides = array<i32>} : memref<320xf32, #tpu.memory_space<vmem>>, vector<16xf32>,
      %gt3A_913 = arith.cmpf ogt, %select_n3A_910, %select_n3A_864 : vector<16xf32>
      %select_n3A_914 = arith.select %gt3A_913, %select_n3A_910, %select_n3A_864 : vector<16xi1>, vector<16xf32>
      %select_n3A_915 = arith.select %gt3A_913, %add3A_902, %select_n3A_865 : vector<16xi1>, vector<16xf32>
      %add3A_916 = arith.constant 192 : i32
      %add3A_917 = arith.addi %mul3A_0, %add3A_916 : i32
      %get3A_918 = arith.constant 192 : index
      %get3A_919 = tpu.vector_load %arg10[%get3A_918] {strides = array<i32>} : memref<320xf32, #tpu.memory_space<vmem>>, vector<16xf32>,
      %get3A_920 = arith.index_cast %add3A_917 : i32 to index
      %get3A_921 = tpu.vector_load %arg5[%get3A_920] {strides = array<i32>} : memref<5120xf32, #tpu.memory_space<vmem>>, vector<16xf32>,
      %get3A_922 = arith.index_cast %add3A_917 : i32 to index
      %get3A_923 = tpu.vector_load %arg6[%get3A_922] {strides = array<i32>} : memref<5120xf32, #tpu.memory_space<vmem>>, vector<16xf32>,
      %get3A_924 = arith.index_cast %add3A_917 : i32 to index
      %get3A_925 = tpu.vector_load %arg7[%get3A_924] {strides = array<i32>} : memref<5120xf32, #tpu.memory_space<vmem>>, vector<16xf32>,
      %get3A_926 = arith.index_cast %add3A_917 : i32 to index
      %get3A_927 = tpu.vector_load %arg8[%get3A_926] {strides = array<i32>} : memref<5120xf32, #tpu.memory_space<vmem>>, vector<16xf32>,
      %get3A_928 = arith.constant 192 : index
      %get3A_929 = tpu.vector_load %arg9[%get3A_928] {strides = array<i32>} : memref<320xf32, #tpu.memory_space<vmem>>, vector<16xf32>,
      %max3A_930 = arith.maximumf %scan3A_314, %get3A_921 : vector<16xf32>
      %max3A_931 = arith.maximumf %scan3A_315, %get3A_923 : vector<16xf32>
      %min3A_932 = arith.minimumf %scan3A_316, %get3A_925 : vector<16xf32>
      %min3A_933 = arith.minimumf %scan3A_317, %get3A_927 : vector<16xf32>
      %sub3A_934 = arith.subf %min3A_932, %max3A_930 : vector<16xf32>
      %max3A_935 = arith.constant 0.000000e+00 : f32
      %max3A_936 = vector.broadcast %max3A_935 : f32 to vector<16xf32>
      %max3A_937 = arith.maximumf %sub3A_934, %max3A_936 : vector<16xf32>
      %sub3A_938 = arith.subf %min3A_933, %max3A_931 : vector<16xf32>
      %max3A_939 = arith.constant 0.000000e+00 : f32
      %max3A_940 = vector.broadcast %max3A_939 : f32 to vector<16xf32>
      %max3A_941 = arith.maximumf %sub3A_938, %max3A_940 : vector<16xf32>
      %mul3A_942 = arith.mulf %max3A_937, %max3A_941 : vector<16xf32>
      %add3A_943 = arith.addf %mul3A_320, %get3A_929 : vector<16xf32>
      %sub3A_944 = arith.subf %add3A_943, %mul3A_942 : vector<16xf32>
      %add3A_945 = arith.constant 9.99999993E-9 : f32
      %add3A_946 = vector.broadcast %add3A_945 : f32 to vector<16xf32>
      %add3A_947 = arith.addf %sub3A_944, %add3A_946 : vector<16xf32>
      %div3A_948 = arith.divf %mul3A_942, %add3A_947 : vector<16xf32>
      %add3A_949 = arith.constant 1.920000e+02 : f32
      %add3A_950 = arith.addf %convert_element_type3A_300, %add3A_949 : f32
      %add3A_951 = vector.broadcast %add3A_950 : f32 to vector<16xf32>
      %add3A_952 = arith.addf %convert_element_type3A, %add3A_951 : vector<16xf32>
      %le3A_953 = arith.constant 5.000000e-01 : f32
      %le3A_954 = vector.broadcast %le3A_953 : f32 to vector<16xf32>
      %le3A_955 = arith.cmpf ole, %div3A_948, %le3A_954 : vector<16xf32>
      %ne3A_956 = arith.cmpf one, %add3A_952, %scan3A_313 : vector<16xf32>
      %and3A_957 = arith.andi %le3A_955, %ne3A_956 : vector<16xi1>
      %jit3A_958 = arith.constant 0xFF800000 : f32
      %broadcast_in_dim3A_959 = vector.broadcast %jit3A_958 : f32 to vector<16xf32>
      %select_n3A_960 = arith.select %and3A_957, %get3A_919, %broadcast_in_dim3A_959 : vector<16xi1>, vector<16xf32>
      %swap3A_961 = arith.constant 192 : index
      %swap3A_962 = tpu.vector_load %arg10[%swap3A_961] {strides = array<i32>} : memref<320xf32, #tpu.memory_space<vmem>>, vector<16xf32>,
      tpu.vector_store %arg10[%swap3A_961], %select_n3A_960 {strides = array<i32>} : memref<320xf32, #tpu.memory_space<vmem>>, vector<16xf32>,
      %gt3A_963 = arith.cmpf ogt, %select_n3A_960, %select_n3A_914 : vector<16xf32>
      %select_n3A_964 = arith.select %gt3A_963, %select_n3A_960, %select_n3A_914 : vector<16xi1>, vector<16xf32>
      %select_n3A_965 = arith.select %gt3A_963, %add3A_952, %select_n3A_915 : vector<16xi1>, vector<16xf32>
      %add3A_966 = arith.constant 208 : i32
      %add3A_967 = arith.addi %mul3A_0, %add3A_966 : i32
      %get3A_968 = arith.constant 208 : index
      %get3A_969 = tpu.vector_load %arg10[%get3A_968] {strides = array<i32>} : memref<320xf32, #tpu.memory_space<vmem>>, vector<16xf32>,
      %get3A_970 = arith.index_cast %add3A_967 : i32 to index
      %get3A_971 = tpu.vector_load %arg5[%get3A_970] {strides = array<i32>} : memref<5120xf32, #tpu.memory_space<vmem>>, vector<16xf32>,
      %get3A_972 = arith.index_cast %add3A_967 : i32 to index
      %get3A_973 = tpu.vector_load %arg6[%get3A_972] {strides = array<i32>} : memref<5120xf32, #tpu.memory_space<vmem>>, vector<16xf32>,
      %get3A_974 = arith.index_cast %add3A_967 : i32 to index
      %get3A_975 = tpu.vector_load %arg7[%get3A_974] {strides = array<i32>} : memref<5120xf32, #tpu.memory_space<vmem>>, vector<16xf32>,
      %get3A_976 = arith.index_cast %add3A_967 : i32 to index
      %get3A_977 = tpu.vector_load %arg8[%get3A_976] {strides = array<i32>} : memref<5120xf32, #tpu.memory_space<vmem>>, vector<16xf32>,
      %get3A_978 = arith.constant 208 : index
      %get3A_979 = tpu.vector_load %arg9[%get3A_978] {strides = array<i32>} : memref<320xf32, #tpu.memory_space<vmem>>, vector<16xf32>,
      %max3A_980 = arith.maximumf %scan3A_314, %get3A_971 : vector<16xf32>
      %max3A_981 = arith.maximumf %scan3A_315, %get3A_973 : vector<16xf32>
      %min3A_982 = arith.minimumf %scan3A_316, %get3A_975 : vector<16xf32>
      %min3A_983 = arith.minimumf %scan3A_317, %get3A_977 : vector<16xf32>
      %sub3A_984 = arith.subf %min3A_982, %max3A_980 : vector<16xf32>
      %max3A_985 = arith.constant 0.000000e+00 : f32
      %max3A_986 = vector.broadcast %max3A_985 : f32 to vector<16xf32>
      %max3A_987 = arith.maximumf %sub3A_984, %max3A_986 : vector<16xf32>
      %sub3A_988 = arith.subf %min3A_983, %max3A_981 : vector<16xf32>
      %max3A_989 = arith.constant 0.000000e+00 : f32
      %max3A_990 = vector.broadcast %max3A_989 : f32 to vector<16xf32>
      %max3A_991 = arith.maximumf %sub3A_988, %max3A_990 : vector<16xf32>
      %mul3A_992 = arith.mulf %max3A_987, %max3A_991 : vector<16xf32>
      %add3A_993 = arith.addf %mul3A_320, %get3A_979 : vector<16xf32>
      %sub3A_994 = arith.subf %add3A_993, %mul3A_992 : vector<16xf32>
      %add3A_995 = arith.constant 9.99999993E-9 : f32
      %add3A_996 = vector.broadcast %add3A_995 : f32 to vector<16xf32>
      %add3A_997 = arith.addf %sub3A_994, %add3A_996 : vector<16xf32>
      %div3A_998 = arith.divf %mul3A_992, %add3A_997 : vector<16xf32>
      %add3A_999 = arith.constant 2.080000e+02 : f32
      %add3A_1000 = arith.addf %convert_element_type3A_300, %add3A_999 : f32
      %add3A_1001 = vector.broadcast %add3A_1000 : f32 to vector<16xf32>
      %add3A_1002 = arith.addf %convert_element_type3A, %add3A_1001 : vector<16xf32>
      %le3A_1003 = arith.constant 5.000000e-01 : f32
      %le3A_1004 = vector.broadcast %le3A_1003 : f32 to vector<16xf32>
      %le3A_1005 = arith.cmpf ole, %div3A_998, %le3A_1004 : vector<16xf32>
      %ne3A_1006 = arith.cmpf one, %add3A_1002, %scan3A_313 : vector<16xf32>
      %and3A_1007 = arith.andi %le3A_1005, %ne3A_1006 : vector<16xi1>
      %jit3A_1008 = arith.constant 0xFF800000 : f32
      %broadcast_in_dim3A_1009 = vector.broadcast %jit3A_1008 : f32 to vector<16xf32>
      %select_n3A_1010 = arith.select %and3A_1007, %get3A_969, %broadcast_in_dim3A_1009 : vector<16xi1>, vector<16xf32>
      %swap3A_1011 = arith.constant 208 : index
      %swap3A_1012 = tpu.vector_load %arg10[%swap3A_1011] {strides = array<i32>} : memref<320xf32, #tpu.memory_space<vmem>>, vector<16xf32>,
      tpu.vector_store %arg10[%swap3A_1011], %select_n3A_1010 {strides = array<i32>} : memref<320xf32, #tpu.memory_space<vmem>>, vector<16xf32>,
      %gt3A_1013 = arith.cmpf ogt, %select_n3A_1010, %select_n3A_964 : vector<16xf32>
      %select_n3A_1014 = arith.select %gt3A_1013, %select_n3A_1010, %select_n3A_964 : vector<16xi1>, vector<16xf32>
      %select_n3A_1015 = arith.select %gt3A_1013, %add3A_1002, %select_n3A_965 : vector<16xi1>, vector<16xf32>
      %add3A_1016 = arith.constant 224 : i32
      %add3A_1017 = arith.addi %mul3A_0, %add3A_1016 : i32
      %get3A_1018 = arith.constant 224 : index
      %get3A_1019 = tpu.vector_load %arg10[%get3A_1018] {strides = array<i32>} : memref<320xf32, #tpu.memory_space<vmem>>, vector<16xf32>,
      %get3A_1020 = arith.index_cast %add3A_1017 : i32 to index
      %get3A_1021 = tpu.vector_load %arg5[%get3A_1020] {strides = array<i32>} : memref<5120xf32, #tpu.memory_space<vmem>>, vector<16xf32>,
      %get3A_1022 = arith.index_cast %add3A_1017 : i32 to index
      %get3A_1023 = tpu.vector_load %arg6[%get3A_1022] {strides = array<i32>} : memref<5120xf32, #tpu.memory_space<vmem>>, vector<16xf32>,
      %get3A_1024 = arith.index_cast %add3A_1017 : i32 to index
      %get3A_1025 = tpu.vector_load %arg7[%get3A_1024] {strides = array<i32>} : memref<5120xf32, #tpu.memory_space<vmem>>, vector<16xf32>,
      %get3A_1026 = arith.index_cast %add3A_1017 : i32 to index
      %get3A_1027 = tpu.vector_load %arg8[%get3A_1026] {strides = array<i32>} : memref<5120xf32, #tpu.memory_space<vmem>>, vector<16xf32>,
      %get3A_1028 = arith.constant 224 : index
      %get3A_1029 = tpu.vector_load %arg9[%get3A_1028] {strides = array<i32>} : memref<320xf32, #tpu.memory_space<vmem>>, vector<16xf32>,
      %max3A_1030 = arith.maximumf %scan3A_314, %get3A_1021 : vector<16xf32>
      %max3A_1031 = arith.maximumf %scan3A_315, %get3A_1023 : vector<16xf32>
      %min3A_1032 = arith.minimumf %scan3A_316, %get3A_1025 : vector<16xf32>
      %min3A_1033 = arith.minimumf %scan3A_317, %get3A_1027 : vector<16xf32>
      %sub3A_1034 = arith.subf %min3A_1032, %max3A_1030 : vector<16xf32>
      %max3A_1035 = arith.constant 0.000000e+00 : f32
      %max3A_1036 = vector.broadcast %max3A_1035 : f32 to vector<16xf32>
      %max3A_1037 = arith.maximumf %sub3A_1034, %max3A_1036 : vector<16xf32>
      %sub3A_1038 = arith.subf %min3A_1033, %max3A_1031 : vector<16xf32>
      %max3A_1039 = arith.constant 0.000000e+00 : f32
      %max3A_1040 = vector.broadcast %max3A_1039 : f32 to vector<16xf32>
      %max3A_1041 = arith.maximumf %sub3A_1038, %max3A_1040 : vector<16xf32>
      %mul3A_1042 = arith.mulf %max3A_1037, %max3A_1041 : vector<16xf32>
      %add3A_1043 = arith.addf %mul3A_320, %get3A_1029 : vector<16xf32>
      %sub3A_1044 = arith.subf %add3A_1043, %mul3A_1042 : vector<16xf32>
      %add3A_1045 = arith.constant 9.99999993E-9 : f32
      %add3A_1046 = vector.broadcast %add3A_1045 : f32 to vector<16xf32>
      %add3A_1047 = arith.addf %sub3A_1044, %add3A_1046 : vector<16xf32>
      %div3A_1048 = arith.divf %mul3A_1042, %add3A_1047 : vector<16xf32>
      %add3A_1049 = arith.constant 2.240000e+02 : f32
      %add3A_1050 = arith.addf %convert_element_type3A_300, %add3A_1049 : f32
      %add3A_1051 = vector.broadcast %add3A_1050 : f32 to vector<16xf32>
      %add3A_1052 = arith.addf %convert_element_type3A, %add3A_1051 : vector<16xf32>
      %le3A_1053 = arith.constant 5.000000e-01 : f32
      %le3A_1054 = vector.broadcast %le3A_1053 : f32 to vector<16xf32>
      %le3A_1055 = arith.cmpf ole, %div3A_1048, %le3A_1054 : vector<16xf32>
      %ne3A_1056 = arith.cmpf one, %add3A_1052, %scan3A_313 : vector<16xf32>
      %and3A_1057 = arith.andi %le3A_1055, %ne3A_1056 : vector<16xi1>
      %jit3A_1058 = arith.constant 0xFF800000 : f32
      %broadcast_in_dim3A_1059 = vector.broadcast %jit3A_1058 : f32 to vector<16xf32>
      %select_n3A_1060 = arith.select %and3A_1057, %get3A_1019, %broadcast_in_dim3A_1059 : vector<16xi1>, vector<16xf32>
      %swap3A_1061 = arith.constant 224 : index
      %swap3A_1062 = tpu.vector_load %arg10[%swap3A_1061] {strides = array<i32>} : memref<320xf32, #tpu.memory_space<vmem>>, vector<16xf32>,
      tpu.vector_store %arg10[%swap3A_1061], %select_n3A_1060 {strides = array<i32>} : memref<320xf32, #tpu.memory_space<vmem>>, vector<16xf32>,
      %gt3A_1063 = arith.cmpf ogt, %select_n3A_1060, %select_n3A_1014 : vector<16xf32>
      %select_n3A_1064 = arith.select %gt3A_1063, %select_n3A_1060, %select_n3A_1014 : vector<16xi1>, vector<16xf32>
      %select_n3A_1065 = arith.select %gt3A_1063, %add3A_1052, %select_n3A_1015 : vector<16xi1>, vector<16xf32>
      %add3A_1066 = arith.constant 240 : i32
      %add3A_1067 = arith.addi %mul3A_0, %add3A_1066 : i32
      %get3A_1068 = arith.constant 240 : index
      %get3A_1069 = tpu.vector_load %arg10[%get3A_1068] {strides = array<i32>} : memref<320xf32, #tpu.memory_space<vmem>>, vector<16xf32>,
      %get3A_1070 = arith.index_cast %add3A_1067 : i32 to index
      %get3A_1071 = tpu.vector_load %arg5[%get3A_1070] {strides = array<i32>} : memref<5120xf32, #tpu.memory_space<vmem>>, vector<16xf32>,
      %get3A_1072 = arith.index_cast %add3A_1067 : i32 to index
      %get3A_1073 = tpu.vector_load %arg6[%get3A_1072] {strides = array<i32>} : memref<5120xf32, #tpu.memory_space<vmem>>, vector<16xf32>,
      %get3A_1074 = arith.index_cast %add3A_1067 : i32 to index
      %get3A_1075 = tpu.vector_load %arg7[%get3A_1074] {strides = array<i32>} : memref<5120xf32, #tpu.memory_space<vmem>>, vector<16xf32>,
      %get3A_1076 = arith.index_cast %add3A_1067 : i32 to index
      %get3A_1077 = tpu.vector_load %arg8[%get3A_1076] {strides = array<i32>} : memref<5120xf32, #tpu.memory_space<vmem>>, vector<16xf32>,
      %get3A_1078 = arith.constant 240 : index
      %get3A_1079 = tpu.vector_load %arg9[%get3A_1078] {strides = array<i32>} : memref<320xf32, #tpu.memory_space<vmem>>, vector<16xf32>,
      %max3A_1080 = arith.maximumf %scan3A_314, %get3A_1071 : vector<16xf32>
      %max3A_1081 = arith.maximumf %scan3A_315, %get3A_1073 : vector<16xf32>
      %min3A_1082 = arith.minimumf %scan3A_316, %get3A_1075 : vector<16xf32>
      %min3A_1083 = arith.minimumf %scan3A_317, %get3A_1077 : vector<16xf32>
      %sub3A_1084 = arith.subf %min3A_1082, %max3A_1080 : vector<16xf32>
      %max3A_1085 = arith.constant 0.000000e+00 : f32
      %max3A_1086 = vector.broadcast %max3A_1085 : f32 to vector<16xf32>
      %max3A_1087 = arith.maximumf %sub3A_1084, %max3A_1086 : vector<16xf32>
      %sub3A_1088 = arith.subf %min3A_1083, %max3A_1081 : vector<16xf32>
      %max3A_1089 = arith.constant 0.000000e+00 : f32
      %max3A_1090 = vector.broadcast %max3A_1089 : f32 to vector<16xf32>
      %max3A_1091 = arith.maximumf %sub3A_1088, %max3A_1090 : vector<16xf32>
      %mul3A_1092 = arith.mulf %max3A_1087, %max3A_1091 : vector<16xf32>
      %add3A_1093 = arith.addf %mul3A_320, %get3A_1079 : vector<16xf32>
      %sub3A_1094 = arith.subf %add3A_1093, %mul3A_1092 : vector<16xf32>
      %add3A_1095 = arith.constant 9.99999993E-9 : f32
      %add3A_1096 = vector.broadcast %add3A_1095 : f32 to vector<16xf32>
      %add3A_1097 = arith.addf %sub3A_1094, %add3A_1096 : vector<16xf32>
      %div3A_1098 = arith.divf %mul3A_1092, %add3A_1097 : vector<16xf32>
      %add3A_1099 = arith.constant 2.400000e+02 : f32
      %add3A_1100 = arith.addf %convert_element_type3A_300, %add3A_1099 : f32
      %add3A_1101 = vector.broadcast %add3A_1100 : f32 to vector<16xf32>
      %add3A_1102 = arith.addf %convert_element_type3A, %add3A_1101 : vector<16xf32>
      %le3A_1103 = arith.constant 5.000000e-01 : f32
      %le3A_1104 = vector.broadcast %le3A_1103 : f32 to vector<16xf32>
      %le3A_1105 = arith.cmpf ole, %div3A_1098, %le3A_1104 : vector<16xf32>
      %ne3A_1106 = arith.cmpf one, %add3A_1102, %scan3A_313 : vector<16xf32>
      %and3A_1107 = arith.andi %le3A_1105, %ne3A_1106 : vector<16xi1>
      %jit3A_1108 = arith.constant 0xFF800000 : f32
      %broadcast_in_dim3A_1109 = vector.broadcast %jit3A_1108 : f32 to vector<16xf32>
      %select_n3A_1110 = arith.select %and3A_1107, %get3A_1069, %broadcast_in_dim3A_1109 : vector<16xi1>, vector<16xf32>
      %swap3A_1111 = arith.constant 240 : index
      %swap3A_1112 = tpu.vector_load %arg10[%swap3A_1111] {strides = array<i32>} : memref<320xf32, #tpu.memory_space<vmem>>, vector<16xf32>,
      tpu.vector_store %arg10[%swap3A_1111], %select_n3A_1110 {strides = array<i32>} : memref<320xf32, #tpu.memory_space<vmem>>, vector<16xf32>,
      %gt3A_1113 = arith.cmpf ogt, %select_n3A_1110, %select_n3A_1064 : vector<16xf32>
      %select_n3A_1114 = arith.select %gt3A_1113, %select_n3A_1110, %select_n3A_1064 : vector<16xi1>, vector<16xf32>
      %select_n3A_1115 = arith.select %gt3A_1113, %add3A_1102, %select_n3A_1065 : vector<16xi1>, vector<16xf32>
      %add3A_1116 = arith.constant 256 : i32
      %add3A_1117 = arith.addi %mul3A_0, %add3A_1116 : i32
      %get3A_1118 = arith.constant 256 : index
      %get3A_1119 = tpu.vector_load %arg10[%get3A_1118] {strides = array<i32>} : memref<320xf32, #tpu.memory_space<vmem>>, vector<16xf32>,
      %get3A_1120 = arith.index_cast %add3A_1117 : i32 to index
      %get3A_1121 = tpu.vector_load %arg5[%get3A_1120] {strides = array<i32>} : memref<5120xf32, #tpu.memory_space<vmem>>, vector<16xf32>,
      %get3A_1122 = arith.index_cast %add3A_1117 : i32 to index
      %get3A_1123 = tpu.vector_load %arg6[%get3A_1122] {strides = array<i32>} : memref<5120xf32, #tpu.memory_space<vmem>>, vector<16xf32>,
      %get3A_1124 = arith.index_cast %add3A_1117 : i32 to index
      %get3A_1125 = tpu.vector_load %arg7[%get3A_1124] {strides = array<i32>} : memref<5120xf32, #tpu.memory_space<vmem>>, vector<16xf32>,
      %get3A_1126 = arith.index_cast %add3A_1117 : i32 to index
      %get3A_1127 = tpu.vector_load %arg8[%get3A_1126] {strides = array<i32>} : memref<5120xf32, #tpu.memory_space<vmem>>, vector<16xf32>,
      %get3A_1128 = arith.constant 256 : index
      %get3A_1129 = tpu.vector_load %arg9[%get3A_1128] {strides = array<i32>} : memref<320xf32, #tpu.memory_space<vmem>>, vector<16xf32>,
      %max3A_1130 = arith.maximumf %scan3A_314, %get3A_1121 : vector<16xf32>
      %max3A_1131 = arith.maximumf %scan3A_315, %get3A_1123 : vector<16xf32>
      %min3A_1132 = arith.minimumf %scan3A_316, %get3A_1125 : vector<16xf32>
      %min3A_1133 = arith.minimumf %scan3A_317, %get3A_1127 : vector<16xf32>
      %sub3A_1134 = arith.subf %min3A_1132, %max3A_1130 : vector<16xf32>
      %max3A_1135 = arith.constant 0.000000e+00 : f32
      %max3A_1136 = vector.broadcast %max3A_1135 : f32 to vector<16xf32>
      %max3A_1137 = arith.maximumf %sub3A_1134, %max3A_1136 : vector<16xf32>
      %sub3A_1138 = arith.subf %min3A_1133, %max3A_1131 : vector<16xf32>
      %max3A_1139 = arith.constant 0.000000e+00 : f32
      %max3A_1140 = vector.broadcast %max3A_1139 : f32 to vector<16xf32>
      %max3A_1141 = arith.maximumf %sub3A_1138, %max3A_1140 : vector<16xf32>
      %mul3A_1142 = arith.mulf %max3A_1137, %max3A_1141 : vector<16xf32>
      %add3A_1143 = arith.addf %mul3A_320, %get3A_1129 : vector<16xf32>
      %sub3A_1144 = arith.subf %add3A_1143, %mul3A_1142 : vector<16xf32>
      %add3A_1145 = arith.constant 9.99999993E-9 : f32
      %add3A_1146 = vector.broadcast %add3A_1145 : f32 to vector<16xf32>
      %add3A_1147 = arith.addf %sub3A_1144, %add3A_1146 : vector<16xf32>
      %div3A_1148 = arith.divf %mul3A_1142, %add3A_1147 : vector<16xf32>
      %add3A_1149 = arith.constant 2.560000e+02 : f32
      %add3A_1150 = arith.addf %convert_element_type3A_300, %add3A_1149 : f32
      %add3A_1151 = vector.broadcast %add3A_1150 : f32 to vector<16xf32>
      %add3A_1152 = arith.addf %convert_element_type3A, %add3A_1151 : vector<16xf32>
      %le3A_1153 = arith.constant 5.000000e-01 : f32
      %le3A_1154 = vector.broadcast %le3A_1153 : f32 to vector<16xf32>
      %le3A_1155 = arith.cmpf ole, %div3A_1148, %le3A_1154 : vector<16xf32>
      %ne3A_1156 = arith.cmpf one, %add3A_1152, %scan3A_313 : vector<16xf32>
      %and3A_1157 = arith.andi %le3A_1155, %ne3A_1156 : vector<16xi1>
      %jit3A_1158 = arith.constant 0xFF800000 : f32
      %broadcast_in_dim3A_1159 = vector.broadcast %jit3A_1158 : f32 to vector<16xf32>
      %select_n3A_1160 = arith.select %and3A_1157, %get3A_1119, %broadcast_in_dim3A_1159 : vector<16xi1>, vector<16xf32>
      %swap3A_1161 = arith.constant 256 : index
      %swap3A_1162 = tpu.vector_load %arg10[%swap3A_1161] {strides = array<i32>} : memref<320xf32, #tpu.memory_space<vmem>>, vector<16xf32>,
      tpu.vector_store %arg10[%swap3A_1161], %select_n3A_1160 {strides = array<i32>} : memref<320xf32, #tpu.memory_space<vmem>>, vector<16xf32>,
      %gt3A_1163 = arith.cmpf ogt, %select_n3A_1160, %select_n3A_1114 : vector<16xf32>
      %select_n3A_1164 = arith.select %gt3A_1163, %select_n3A_1160, %select_n3A_1114 : vector<16xi1>, vector<16xf32>
      %select_n3A_1165 = arith.select %gt3A_1163, %add3A_1152, %select_n3A_1115 : vector<16xi1>, vector<16xf32>
      %add3A_1166 = arith.constant 272 : i32
      %add3A_1167 = arith.addi %mul3A_0, %add3A_1166 : i32
      %get3A_1168 = arith.constant 272 : index
      %get3A_1169 = tpu.vector_load %arg10[%get3A_1168] {strides = array<i32>} : memref<320xf32, #tpu.memory_space<vmem>>, vector<16xf32>,
      %get3A_1170 = arith.index_cast %add3A_1167 : i32 to index
      %get3A_1171 = tpu.vector_load %arg5[%get3A_1170] {strides = array<i32>} : memref<5120xf32, #tpu.memory_space<vmem>>, vector<16xf32>,
      %get3A_1172 = arith.index_cast %add3A_1167 : i32 to index
      %get3A_1173 = tpu.vector_load %arg6[%get3A_1172] {strides = array<i32>} : memref<5120xf32, #tpu.memory_space<vmem>>, vector<16xf32>,
      %get3A_1174 = arith.index_cast %add3A_1167 : i32 to index
      %get3A_1175 = tpu.vector_load %arg7[%get3A_1174] {strides = array<i32>} : memref<5120xf32, #tpu.memory_space<vmem>>, vector<16xf32>,
      %get3A_1176 = arith.index_cast %add3A_1167 : i32 to index
      %get3A_1177 = tpu.vector_load %arg8[%get3A_1176] {strides = array<i32>} : memref<5120xf32, #tpu.memory_space<vmem>>, vector<16xf32>,
      %get3A_1178 = arith.constant 272 : index
      %get3A_1179 = tpu.vector_load %arg9[%get3A_1178] {strides = array<i32>} : memref<320xf32, #tpu.memory_space<vmem>>, vector<16xf32>,
      %max3A_1180 = arith.maximumf %scan3A_314, %get3A_1171 : vector<16xf32>
      %max3A_1181 = arith.maximumf %scan3A_315, %get3A_1173 : vector<16xf32>
      %min3A_1182 = arith.minimumf %scan3A_316, %get3A_1175 : vector<16xf32>
      %min3A_1183 = arith.minimumf %scan3A_317, %get3A_1177 : vector<16xf32>
      %sub3A_1184 = arith.subf %min3A_1182, %max3A_1180 : vector<16xf32>
      %max3A_1185 = arith.constant 0.000000e+00 : f32
      %max3A_1186 = vector.broadcast %max3A_1185 : f32 to vector<16xf32>
      %max3A_1187 = arith.maximumf %sub3A_1184, %max3A_1186 : vector<16xf32>
      %sub3A_1188 = arith.subf %min3A_1183, %max3A_1181 : vector<16xf32>
      %max3A_1189 = arith.constant 0.000000e+00 : f32
      %max3A_1190 = vector.broadcast %max3A_1189 : f32 to vector<16xf32>
      %max3A_1191 = arith.maximumf %sub3A_1188, %max3A_1190 : vector<16xf32>
      %mul3A_1192 = arith.mulf %max3A_1187, %max3A_1191 : vector<16xf32>
      %add3A_1193 = arith.addf %mul3A_320, %get3A_1179 : vector<16xf32>
      %sub3A_1194 = arith.subf %add3A_1193, %mul3A_1192 : vector<16xf32>
      %add3A_1195 = arith.constant 9.99999993E-9 : f32
      %add3A_1196 = vector.broadcast %add3A_1195 : f32 to vector<16xf32>
      %add3A_1197 = arith.addf %sub3A_1194, %add3A_1196 : vector<16xf32>
      %div3A_1198 = arith.divf %mul3A_1192, %add3A_1197 : vector<16xf32>
      %add3A_1199 = arith.constant 2.720000e+02 : f32
      %add3A_1200 = arith.addf %convert_element_type3A_300, %add3A_1199 : f32
      %add3A_1201 = vector.broadcast %add3A_1200 : f32 to vector<16xf32>
      %add3A_1202 = arith.addf %convert_element_type3A, %add3A_1201 : vector<16xf32>
      %le3A_1203 = arith.constant 5.000000e-01 : f32
      %le3A_1204 = vector.broadcast %le3A_1203 : f32 to vector<16xf32>
      %le3A_1205 = arith.cmpf ole, %div3A_1198, %le3A_1204 : vector<16xf32>
      %ne3A_1206 = arith.cmpf one, %add3A_1202, %scan3A_313 : vector<16xf32>
      %and3A_1207 = arith.andi %le3A_1205, %ne3A_1206 : vector<16xi1>
      %jit3A_1208 = arith.constant 0xFF800000 : f32
      %broadcast_in_dim3A_1209 = vector.broadcast %jit3A_1208 : f32 to vector<16xf32>
      %select_n3A_1210 = arith.select %and3A_1207, %get3A_1169, %broadcast_in_dim3A_1209 : vector<16xi1>, vector<16xf32>
      %swap3A_1211 = arith.constant 272 : index
      %swap3A_1212 = tpu.vector_load %arg10[%swap3A_1211] {strides = array<i32>} : memref<320xf32, #tpu.memory_space<vmem>>, vector<16xf32>,
      tpu.vector_store %arg10[%swap3A_1211], %select_n3A_1210 {strides = array<i32>} : memref<320xf32, #tpu.memory_space<vmem>>, vector<16xf32>,
      %gt3A_1213 = arith.cmpf ogt, %select_n3A_1210, %select_n3A_1164 : vector<16xf32>
      %select_n3A_1214 = arith.select %gt3A_1213, %select_n3A_1210, %select_n3A_1164 : vector<16xi1>, vector<16xf32>
      %select_n3A_1215 = arith.select %gt3A_1213, %add3A_1202, %select_n3A_1165 : vector<16xi1>, vector<16xf32>
      %add3A_1216 = arith.constant 288 : i32
      %add3A_1217 = arith.addi %mul3A_0, %add3A_1216 : i32
      %get3A_1218 = arith.constant 288 : index
      %get3A_1219 = tpu.vector_load %arg10[%get3A_1218] {strides = array<i32>} : memref<320xf32, #tpu.memory_space<vmem>>, vector<16xf32>,
      %get3A_1220 = arith.index_cast %add3A_1217 : i32 to index
      %get3A_1221 = tpu.vector_load %arg5[%get3A_1220] {strides = array<i32>} : memref<5120xf32, #tpu.memory_space<vmem>>, vector<16xf32>,
      %get3A_1222 = arith.index_cast %add3A_1217 : i32 to index
      %get3A_1223 = tpu.vector_load %arg6[%get3A_1222] {strides = array<i32>} : memref<5120xf32, #tpu.memory_space<vmem>>, vector<16xf32>,
      %get3A_1224 = arith.index_cast %add3A_1217 : i32 to index
      %get3A_1225 = tpu.vector_load %arg7[%get3A_1224] {strides = array<i32>} : memref<5120xf32, #tpu.memory_space<vmem>>, vector<16xf32>,
      %get3A_1226 = arith.index_cast %add3A_1217 : i32 to index
      %get3A_1227 = tpu.vector_load %arg8[%get3A_1226] {strides = array<i32>} : memref<5120xf32, #tpu.memory_space<vmem>>, vector<16xf32>,
      %get3A_1228 = arith.constant 288 : index
      %get3A_1229 = tpu.vector_load %arg9[%get3A_1228] {strides = array<i32>} : memref<320xf32, #tpu.memory_space<vmem>>, vector<16xf32>,
      %max3A_1230 = arith.maximumf %scan3A_314, %get3A_1221 : vector<16xf32>
      %max3A_1231 = arith.maximumf %scan3A_315, %get3A_1223 : vector<16xf32>
      %min3A_1232 = arith.minimumf %scan3A_316, %get3A_1225 : vector<16xf32>
      %min3A_1233 = arith.minimumf %scan3A_317, %get3A_1227 : vector<16xf32>
      %sub3A_1234 = arith.subf %min3A_1232, %max3A_1230 : vector<16xf32>
      %max3A_1235 = arith.constant 0.000000e+00 : f32
      %max3A_1236 = vector.broadcast %max3A_1235 : f32 to vector<16xf32>
      %max3A_1237 = arith.maximumf %sub3A_1234, %max3A_1236 : vector<16xf32>
      %sub3A_1238 = arith.subf %min3A_1233, %max3A_1231 : vector<16xf32>
      %max3A_1239 = arith.constant 0.000000e+00 : f32
      %max3A_1240 = vector.broadcast %max3A_1239 : f32 to vector<16xf32>
      %max3A_1241 = arith.maximumf %sub3A_1238, %max3A_1240 : vector<16xf32>
      %mul3A_1242 = arith.mulf %max3A_1237, %max3A_1241 : vector<16xf32>
      %add3A_1243 = arith.addf %mul3A_320, %get3A_1229 : vector<16xf32>
      %sub3A_1244 = arith.subf %add3A_1243, %mul3A_1242 : vector<16xf32>
      %add3A_1245 = arith.constant 9.99999993E-9 : f32
      %add3A_1246 = vector.broadcast %add3A_1245 : f32 to vector<16xf32>
      %add3A_1247 = arith.addf %sub3A_1244, %add3A_1246 : vector<16xf32>
      %div3A_1248 = arith.divf %mul3A_1242, %add3A_1247 : vector<16xf32>
      %add3A_1249 = arith.constant 2.880000e+02 : f32
      %add3A_1250 = arith.addf %convert_element_type3A_300, %add3A_1249 : f32
      %add3A_1251 = vector.broadcast %add3A_1250 : f32 to vector<16xf32>
      %add3A_1252 = arith.addf %convert_element_type3A, %add3A_1251 : vector<16xf32>
      %le3A_1253 = arith.constant 5.000000e-01 : f32
      %le3A_1254 = vector.broadcast %le3A_1253 : f32 to vector<16xf32>
      %le3A_1255 = arith.cmpf ole, %div3A_1248, %le3A_1254 : vector<16xf32>
      %ne3A_1256 = arith.cmpf one, %add3A_1252, %scan3A_313 : vector<16xf32>
      %and3A_1257 = arith.andi %le3A_1255, %ne3A_1256 : vector<16xi1>
      %jit3A_1258 = arith.constant 0xFF800000 : f32
      %broadcast_in_dim3A_1259 = vector.broadcast %jit3A_1258 : f32 to vector<16xf32>
      %select_n3A_1260 = arith.select %and3A_1257, %get3A_1219, %broadcast_in_dim3A_1259 : vector<16xi1>, vector<16xf32>
      %swap3A_1261 = arith.constant 288 : index
      %swap3A_1262 = tpu.vector_load %arg10[%swap3A_1261] {strides = array<i32>} : memref<320xf32, #tpu.memory_space<vmem>>, vector<16xf32>,
      tpu.vector_store %arg10[%swap3A_1261], %select_n3A_1260 {strides = array<i32>} : memref<320xf32, #tpu.memory_space<vmem>>, vector<16xf32>,
      %gt3A_1263 = arith.cmpf ogt, %select_n3A_1260, %select_n3A_1214 : vector<16xf32>
      %select_n3A_1264 = arith.select %gt3A_1263, %select_n3A_1260, %select_n3A_1214 : vector<16xi1>, vector<16xf32>
      %select_n3A_1265 = arith.select %gt3A_1263, %add3A_1252, %select_n3A_1215 : vector<16xi1>, vector<16xf32>
      %add3A_1266 = arith.constant 304 : i32
      %add3A_1267 = arith.addi %mul3A_0, %add3A_1266 : i32
      %get3A_1268 = arith.constant 304 : index
      %get3A_1269 = tpu.vector_load %arg10[%get3A_1268] {strides = array<i32>} : memref<320xf32, #tpu.memory_space<vmem>>, vector<16xf32>,
      %get3A_1270 = arith.index_cast %add3A_1267 : i32 to index
      %get3A_1271 = tpu.vector_load %arg5[%get3A_1270] {strides = array<i32>} : memref<5120xf32, #tpu.memory_space<vmem>>, vector<16xf32>,
      %get3A_1272 = arith.index_cast %add3A_1267 : i32 to index
      %get3A_1273 = tpu.vector_load %arg6[%get3A_1272] {strides = array<i32>} : memref<5120xf32, #tpu.memory_space<vmem>>, vector<16xf32>,
      %get3A_1274 = arith.index_cast %add3A_1267 : i32 to index
      %get3A_1275 = tpu.vector_load %arg7[%get3A_1274] {strides = array<i32>} : memref<5120xf32, #tpu.memory_space<vmem>>, vector<16xf32>,
      %get3A_1276 = arith.index_cast %add3A_1267 : i32 to index
      %get3A_1277 = tpu.vector_load %arg8[%get3A_1276] {strides = array<i32>} : memref<5120xf32, #tpu.memory_space<vmem>>, vector<16xf32>,
      %get3A_1278 = arith.constant 304 : index
      %get3A_1279 = tpu.vector_load %arg9[%get3A_1278] {strides = array<i32>} : memref<320xf32, #tpu.memory_space<vmem>>, vector<16xf32>,
      %max3A_1280 = arith.maximumf %scan3A_314, %get3A_1271 : vector<16xf32>
      %max3A_1281 = arith.maximumf %scan3A_315, %get3A_1273 : vector<16xf32>
      %min3A_1282 = arith.minimumf %scan3A_316, %get3A_1275 : vector<16xf32>
      %min3A_1283 = arith.minimumf %scan3A_317, %get3A_1277 : vector<16xf32>
      %sub3A_1284 = arith.subf %min3A_1282, %max3A_1280 : vector<16xf32>
      %max3A_1285 = arith.constant 0.000000e+00 : f32
      %max3A_1286 = vector.broadcast %max3A_1285 : f32 to vector<16xf32>
      %max3A_1287 = arith.maximumf %sub3A_1284, %max3A_1286 : vector<16xf32>
      %sub3A_1288 = arith.subf %min3A_1283, %max3A_1281 : vector<16xf32>
      %max3A_1289 = arith.constant 0.000000e+00 : f32
      %max3A_1290 = vector.broadcast %max3A_1289 : f32 to vector<16xf32>
      %max3A_1291 = arith.maximumf %sub3A_1288, %max3A_1290 : vector<16xf32>
      %mul3A_1292 = arith.mulf %max3A_1287, %max3A_1291 : vector<16xf32>
      %add3A_1293 = arith.addf %mul3A_320, %get3A_1279 : vector<16xf32>
      %sub3A_1294 = arith.subf %add3A_1293, %mul3A_1292 : vector<16xf32>
      %add3A_1295 = arith.constant 9.99999993E-9 : f32
      %add3A_1296 = vector.broadcast %add3A_1295 : f32 to vector<16xf32>
      %add3A_1297 = arith.addf %sub3A_1294, %add3A_1296 : vector<16xf32>
      %div3A_1298 = arith.divf %mul3A_1292, %add3A_1297 : vector<16xf32>
      %add3A_1299 = arith.constant 3.040000e+02 : f32
      %add3A_1300 = arith.addf %convert_element_type3A_300, %add3A_1299 : f32
      %add3A_1301 = vector.broadcast %add3A_1300 : f32 to vector<16xf32>
      %add3A_1302 = arith.addf %convert_element_type3A, %add3A_1301 : vector<16xf32>
      %le3A_1303 = arith.constant 5.000000e-01 : f32
      %le3A_1304 = vector.broadcast %le3A_1303 : f32 to vector<16xf32>
      %le3A_1305 = arith.cmpf ole, %div3A_1298, %le3A_1304 : vector<16xf32>
      %ne3A_1306 = arith.cmpf one, %add3A_1302, %scan3A_313 : vector<16xf32>
      %and3A_1307 = arith.andi %le3A_1305, %ne3A_1306 : vector<16xi1>
      %jit3A_1308 = arith.constant 0xFF800000 : f32
      %broadcast_in_dim3A_1309 = vector.broadcast %jit3A_1308 : f32 to vector<16xf32>
      %select_n3A_1310 = arith.select %and3A_1307, %get3A_1269, %broadcast_in_dim3A_1309 : vector<16xi1>, vector<16xf32>
      %swap3A_1311 = arith.constant 304 : index
      %swap3A_1312 = tpu.vector_load %arg10[%swap3A_1311] {strides = array<i32>} : memref<320xf32, #tpu.memory_space<vmem>>, vector<16xf32>,
      tpu.vector_store %arg10[%swap3A_1311], %select_n3A_1310 {strides = array<i32>} : memref<320xf32, #tpu.memory_space<vmem>>, vector<16xf32>,
      %gt3A_1313 = arith.cmpf ogt, %select_n3A_1310, %select_n3A_1264 : vector<16xf32>
      %select_n3A_1314 = arith.select %gt3A_1313, %select_n3A_1310, %select_n3A_1264 : vector<16xi1>, vector<16xf32>
      %select_n3A_1315 = arith.select %gt3A_1313, %add3A_1302, %select_n3A_1265 : vector<16xi1>, vector<16xf32>
      %reduce_max3A = arith.constant true
      %reduce_max3A_1316 = vector.broadcast %reduce_max3A : i1 to vector<16xi1>
      %reduce_max3A_1317 = tpu.scan <max>, %select_n3A_1314 masked %reduce_max3A_1316 : vector<16xf32>, vector<16xi1> -> vector<16xf32>
      %reduce_max3A_1318 = vector.extract %reduce_max3A_1317[15] : f32 from vector<16xf32>
      %eq3A_1319 = vector.broadcast %reduce_max3A_1318 : f32 to vector<16xf32>
      %eq3A_1320 = arith.cmpf oeq, %select_n3A_1314, %eq3A_1319 : vector<16xf32>
      %jit3A_1321 = arith.constant 3.000000e+38 : f32
      %broadcast_in_dim3A_1322 = vector.broadcast %jit3A_1321 : f32 to vector<16xf32>
      %select_n3A_1323 = arith.select %eq3A_1320, %select_n3A_1315, %broadcast_in_dim3A_1322 : vector<16xi1>, vector<16xf32>
      %reduce_min3A = arith.constant true
      %reduce_min3A_1324 = vector.broadcast %reduce_min3A : i1 to vector<16xi1>
      %reduce_min3A_1325 = tpu.scan <min>, %select_n3A_1323 masked %reduce_min3A_1324 : vector<16xf32>, vector<16xi1> -> vector<16xf32>
      %reduce_min3A_1326 = vector.extract %reduce_min3A_1325[15] : f32 from vector<16xf32>
      %eq3A_1327 = vector.broadcast %arg1 : i32 to vector<16xi32>
      %eq3A_1328 = arith.cmpi eq, %iota3A, %eq3A_1327 : vector<16xi32>
      %jit3A_1329 = arith.constant 0xFF800000 : f32
      %broadcast_in_dim3A_1330 = vector.broadcast %reduce_max3A_1318 : f32 to vector<16xf32>
      %broadcast_in_dim3A_1331 = vector.broadcast %jit3A_1329 : f32 to vector<16xf32>
      %select_n3A_1332 = arith.select %eq3A_1328, %broadcast_in_dim3A_1330, %broadcast_in_dim3A_1331 : vector<16xi1>, vector<16xf32>
      %swap3A_1333 = arith.constant 0 : index
      %swap3A_1334 = tpu.vector_load %arg11[%swap3A_1333] {strides = array<i32>} : memref<32xf32, #tpu.memory_space<vmem>>, vector<16xf32>,
      tpu.vector_store %arg11[%swap3A_1333], %select_n3A_1332 {strides = array<i32>} : memref<32xf32, #tpu.memory_space<vmem>>, vector<16xf32>,
      %eq3A_1335 = vector.broadcast %arg1 : i32 to vector<16xi32>
      %eq3A_1336 = arith.cmpi eq, %iota3A, %eq3A_1335 : vector<16xi32>
      %jit3A_1337 = arith.constant 0.000000e+00 : f32
      %broadcast_in_dim3A_1338 = vector.broadcast %reduce_min3A_1326 : f32 to vector<16xf32>
      %broadcast_in_dim3A_1339 = vector.broadcast %jit3A_1337 : f32 to vector<16xf32>
      %select_n3A_1340 = arith.select %eq3A_1336, %broadcast_in_dim3A_1338, %broadcast_in_dim3A_1339 : vector<16xi1>, vector<16xf32>
      %swap3A_1341 = arith.constant 16 : index
      %swap3A_1342 = tpu.vector_load %arg11[%swap3A_1341] {strides = array<i32>} : memref<32xf32, #tpu.memory_space<vmem>>, vector<16xf32>,
      tpu.vector_store %arg11[%swap3A_1341], %select_n3A_1340 {strides = array<i32>} : memref<32xf32, #tpu.memory_space<vmem>>, vector<16xf32>,
      %rem3A = arith.constant 2 : i32
      %rem3A_1343 = arith.remsi %scan3A_312, %rem3A : i32
      %mul3A_1344 = arith.constant 512 : i32
      %mul3A_1345 = arith.muli %rem3A_1343, %mul3A_1344 : i32
      %mul3A_1346 = arith.constant 32 : i32
      %mul3A_1347 = arith.muli %arg1, %mul3A_1346 : i32
      %add3A_1348 = arith.addi %mul3A_1345, %mul3A_1347 : i32
      "tpu.region"() ({
        %run_scoped3A_1509 = tpu.sem_alloc : memref<!tpu.dma_semaphore, #tpu.memory_space<semaphore_mem>>
        %dma_start3A = tpu.memref_slice %arg14[%add3A_1348] : memref<1024xf32, #tpu.memory_space<vmem_shared>> -> memref<32xf32, #tpu.memory_space<vmem_shared>>
        %dma_start3A_1510 = tpu.memref_slice %arg14[%add3A_1348] : memref<1024xf32, #tpu.memory_space<vmem_shared>> -> memref<32xf32, #tpu.memory_space<vmem_shared>>
        tpu.enqueue_dma source(%arg11 : memref<32xf32, #tpu.memory_space<vmem>>) target(%dma_start3A_1510 : memref<32xf32, #tpu.memory_space<vmem_shared>>) target_semaphore(%run_scoped3A_1509 : memref<!tpu.dma_semaphore, #tpu.memory_space<semaphore_mem>>)
        %dma_wait3A = tpu.memref_slice %arg14[%add3A_1348] : memref<1024xf32, #tpu.memory_space<vmem_shared>> -> memref<32xf32, #tpu.memory_space<vmem_shared>>
        %dma_wait3A_1511 = tpu.memref_slice %arg14[%add3A_1348] : memref<1024xf32, #tpu.memory_space<vmem_shared>> -> memref<32xf32, #tpu.memory_space<vmem_shared>>
        tpu.wait_dma2 semaphore(%run_scoped3A_1509 : memref<!tpu.dma_semaphore, #tpu.memory_space<semaphore_mem>>) src(%arg11 : memref<32xf32, #tpu.memory_space<vmem>>) dst(%dma_wait3A_1511 : memref<32xf32, #tpu.memory_space<vmem_shared>>)
        tpu.yield
      }) : () -> ()
      %barrier3A = arith.constant 0 : index
      tpu.barrier barrier_id(%barrier3A)
      %mul3A_1349 = arith.constant 512 : i32
      %mul3A_1350 = arith.muli %rem3A_1343, %mul3A_1349 : i32
      "tpu.region"() ({
        %run_scoped3A_1509 = tpu.sem_alloc : memref<!tpu.dma_semaphore, #tpu.memory_space<semaphore_mem>>
        %dma_start3A = tpu.memref_slice %arg14[%mul3A_1350] : memref<1024xf32, #tpu.memory_space<vmem_shared>> -> memref<512xf32, #tpu.memory_space<vmem_shared>>
        %dma_start3A_1510 = tpu.memref_slice %arg14[%mul3A_1350] : memref<1024xf32, #tpu.memory_space<vmem_shared>> -> memref<512xf32, #tpu.memory_space<vmem_shared>>
        tpu.enqueue_dma source(%dma_start3A_1510 : memref<512xf32, #tpu.memory_space<vmem_shared>>) target(%arg12 : memref<512xf32, #tpu.memory_space<vmem>>) target_semaphore(%run_scoped3A_1509 : memref<!tpu.dma_semaphore, #tpu.memory_space<semaphore_mem>>)
        %dma_wait3A = tpu.memref_slice %arg14[%mul3A_1350] : memref<1024xf32, #tpu.memory_space<vmem_shared>> -> memref<512xf32, #tpu.memory_space<vmem_shared>>
        %dma_wait3A_1511 = tpu.memref_slice %arg14[%mul3A_1350] : memref<1024xf32, #tpu.memory_space<vmem_shared>> -> memref<512xf32, #tpu.memory_space<vmem_shared>>
        tpu.wait_dma2 semaphore(%run_scoped3A_1509 : memref<!tpu.dma_semaphore, #tpu.memory_space<semaphore_mem>>) src(%dma_wait3A_1511 : memref<512xf32, #tpu.memory_space<vmem_shared>>) dst(%arg12 : memref<512xf32, #tpu.memory_space<vmem>>)
        tpu.yield
      }) : () -> ()
      %broadcast_in_dim3A_1351 = arith.constant 0xFF800000 : f32
      %broadcast_in_dim3A_1352 = vector.broadcast %broadcast_in_dim3A_1351 : f32 to vector<16xf32>
      %broadcast_in_dim3A_1353 = arith.constant 0.000000e+00 : f32
      %broadcast_in_dim3A_1354 = vector.broadcast %broadcast_in_dim3A_1353 : f32 to vector<16xf32>
      %get3A_1355 = arith.constant 0 : index
      %get3A_1356 = tpu.vector_load %arg12[%get3A_1355] {strides = array<i32>} : memref<512xf32, #tpu.memory_space<vmem>>, vector<16xf32>,
      %max3A_1357 = arith.maximumf %broadcast_in_dim3A_1352, %get3A_1356 : vector<16xf32>
      %get3A_1358 = arith.constant 16 : index
      %get3A_1359 = tpu.vector_load %arg12[%get3A_1358] {strides = array<i32>} : memref<512xf32, #tpu.memory_space<vmem>>, vector<16xf32>,
      %max3A_1360 = arith.maximumf %broadcast_in_dim3A_1354, %get3A_1359 : vector<16xf32>
      %get3A_1361 = arith.constant 32 : index
      %get3A_1362 = tpu.vector_load %arg12[%get3A_1361] {strides = array<i32>} : memref<512xf32, #tpu.memory_space<vmem>>, vector<16xf32>,
      %max3A_1363 = arith.maximumf %max3A_1357, %get3A_1362 : vector<16xf32>
      %get3A_1364 = arith.constant 48 : index
      %get3A_1365 = tpu.vector_load %arg12[%get3A_1364] {strides = array<i32>} : memref<512xf32, #tpu.memory_space<vmem>>, vector<16xf32>,
      %max3A_1366 = arith.maximumf %max3A_1360, %get3A_1365 : vector<16xf32>
      %get3A_1367 = arith.constant 64 : index
      %get3A_1368 = tpu.vector_load %arg12[%get3A_1367] {strides = array<i32>} : memref<512xf32, #tpu.memory_space<vmem>>, vector<16xf32>,
      %max3A_1369 = arith.maximumf %max3A_1363, %get3A_1368 : vector<16xf32>
      %get3A_1370 = arith.constant 80 : index
      %get3A_1371 = tpu.vector_load %arg12[%get3A_1370] {strides = array<i32>} : memref<512xf32, #tpu.memory_space<vmem>>, vector<16xf32>,
      %max3A_1372 = arith.maximumf %max3A_1366, %get3A_1371 : vector<16xf32>
      %get3A_1373 = arith.constant 96 : index
      %get3A_1374 = tpu.vector_load %arg12[%get3A_1373] {strides = array<i32>} : memref<512xf32, #tpu.memory_space<vmem>>, vector<16xf32>,
      %max3A_1375 = arith.maximumf %max3A_1369, %get3A_1374 : vector<16xf32>
      %get3A_1376 = arith.constant 112 : index
      %get3A_1377 = tpu.vector_load %arg12[%get3A_1376] {strides = array<i32>} : memref<512xf32, #tpu.memory_space<vmem>>, vector<16xf32>,
      %max3A_1378 = arith.maximumf %max3A_1372, %get3A_1377 : vector<16xf32>
      %get3A_1379 = arith.constant 128 : index
      %get3A_1380 = tpu.vector_load %arg12[%get3A_1379] {strides = array<i32>} : memref<512xf32, #tpu.memory_space<vmem>>, vector<16xf32>,
      %max3A_1381 = arith.maximumf %max3A_1375, %get3A_1380 : vector<16xf32>
      %get3A_1382 = arith.constant 144 : index
      %get3A_1383 = tpu.vector_load %arg12[%get3A_1382] {strides = array<i32>} : memref<512xf32, #tpu.memory_space<vmem>>, vector<16xf32>,
      %max3A_1384 = arith.maximumf %max3A_1378, %get3A_1383 : vector<16xf32>
      %get3A_1385 = arith.constant 160 : index
      %get3A_1386 = tpu.vector_load %arg12[%get3A_1385] {strides = array<i32>} : memref<512xf32, #tpu.memory_space<vmem>>, vector<16xf32>,
      %max3A_1387 = arith.maximumf %max3A_1381, %get3A_1386 : vector<16xf32>
      %get3A_1388 = arith.constant 176 : index
      %get3A_1389 = tpu.vector_load %arg12[%get3A_1388] {strides = array<i32>} : memref<512xf32, #tpu.memory_space<vmem>>, vector<16xf32>,
      %max3A_1390 = arith.maximumf %max3A_1384, %get3A_1389 : vector<16xf32>
      %get3A_1391 = arith.constant 192 : index
      %get3A_1392 = tpu.vector_load %arg12[%get3A_1391] {strides = array<i32>} : memref<512xf32, #tpu.memory_space<vmem>>, vector<16xf32>,
      %max3A_1393 = arith.maximumf %max3A_1387, %get3A_1392 : vector<16xf32>
      %get3A_1394 = arith.constant 208 : index
      %get3A_1395 = tpu.vector_load %arg12[%get3A_1394] {strides = array<i32>} : memref<512xf32, #tpu.memory_space<vmem>>, vector<16xf32>,
      %max3A_1396 = arith.maximumf %max3A_1390, %get3A_1395 : vector<16xf32>
      %get3A_1397 = arith.constant 224 : index
      %get3A_1398 = tpu.vector_load %arg12[%get3A_1397] {strides = array<i32>} : memref<512xf32, #tpu.memory_space<vmem>>, vector<16xf32>,
      %max3A_1399 = arith.maximumf %max3A_1393, %get3A_1398 : vector<16xf32>
      %get3A_1400 = arith.constant 240 : index
      %get3A_1401 = tpu.vector_load %arg12[%get3A_1400] {strides = array<i32>} : memref<512xf32, #tpu.memory_space<vmem>>, vector<16xf32>,
      %max3A_1402 = arith.maximumf %max3A_1396, %get3A_1401 : vector<16xf32>
      %get3A_1403 = arith.constant 256 : index
      %get3A_1404 = tpu.vector_load %arg12[%get3A_1403] {strides = array<i32>} : memref<512xf32, #tpu.memory_space<vmem>>, vector<16xf32>,
      %max3A_1405 = arith.maximumf %max3A_1399, %get3A_1404 : vector<16xf32>
      %get3A_1406 = arith.constant 272 : index
      %get3A_1407 = tpu.vector_load %arg12[%get3A_1406] {strides = array<i32>} : memref<512xf32, #tpu.memory_space<vmem>>, vector<16xf32>,
      %max3A_1408 = arith.maximumf %max3A_1402, %get3A_1407 : vector<16xf32>
      %get3A_1409 = arith.constant 288 : index
      %get3A_1410 = tpu.vector_load %arg12[%get3A_1409] {strides = array<i32>} : memref<512xf32, #tpu.memory_space<vmem>>, vector<16xf32>,
      %max3A_1411 = arith.maximumf %max3A_1405, %get3A_1410 : vector<16xf32>
      %get3A_1412 = arith.constant 304 : index
      %get3A_1413 = tpu.vector_load %arg12[%get3A_1412] {strides = array<i32>} : memref<512xf32, #tpu.memory_space<vmem>>, vector<16xf32>,
      %max3A_1414 = arith.maximumf %max3A_1408, %get3A_1413 : vector<16xf32>
      %get3A_1415 = arith.constant 320 : index
      %get3A_1416 = tpu.vector_load %arg12[%get3A_1415] {strides = array<i32>} : memref<512xf32, #tpu.memory_space<vmem>>, vector<16xf32>,
      %max3A_1417 = arith.maximumf %max3A_1411, %get3A_1416 : vector<16xf32>
      %get3A_1418 = arith.constant 336 : index
      %get3A_1419 = tpu.vector_load %arg12[%get3A_1418] {strides = array<i32>} : memref<512xf32, #tpu.memory_space<vmem>>, vector<16xf32>,
      %max3A_1420 = arith.maximumf %max3A_1414, %get3A_1419 : vector<16xf32>
      %get3A_1421 = arith.constant 352 : index
      %get3A_1422 = tpu.vector_load %arg12[%get3A_1421] {strides = array<i32>} : memref<512xf32, #tpu.memory_space<vmem>>, vector<16xf32>,
      %max3A_1423 = arith.maximumf %max3A_1417, %get3A_1422 : vector<16xf32>
      %get3A_1424 = arith.constant 368 : index
      %get3A_1425 = tpu.vector_load %arg12[%get3A_1424] {strides = array<i32>} : memref<512xf32, #tpu.memory_space<vmem>>, vector<16xf32>,
      %max3A_1426 = arith.maximumf %max3A_1420, %get3A_1425 : vector<16xf32>
      %get3A_1427 = arith.constant 384 : index
      %get3A_1428 = tpu.vector_load %arg12[%get3A_1427] {strides = array<i32>} : memref<512xf32, #tpu.memory_space<vmem>>, vector<16xf32>,
      %max3A_1429 = arith.maximumf %max3A_1423, %get3A_1428 : vector<16xf32>
      %get3A_1430 = arith.constant 400 : index
      %get3A_1431 = tpu.vector_load %arg12[%get3A_1430] {strides = array<i32>} : memref<512xf32, #tpu.memory_space<vmem>>, vector<16xf32>,
      %max3A_1432 = arith.maximumf %max3A_1426, %get3A_1431 : vector<16xf32>
      %get3A_1433 = arith.constant 416 : index
      %get3A_1434 = tpu.vector_load %arg12[%get3A_1433] {strides = array<i32>} : memref<512xf32, #tpu.memory_space<vmem>>, vector<16xf32>,
      %max3A_1435 = arith.maximumf %max3A_1429, %get3A_1434 : vector<16xf32>
      %get3A_1436 = arith.constant 432 : index
      %get3A_1437 = tpu.vector_load %arg12[%get3A_1436] {strides = array<i32>} : memref<512xf32, #tpu.memory_space<vmem>>, vector<16xf32>,
      %max3A_1438 = arith.maximumf %max3A_1432, %get3A_1437 : vector<16xf32>
      %get3A_1439 = arith.constant 448 : index
      %get3A_1440 = tpu.vector_load %arg12[%get3A_1439] {strides = array<i32>} : memref<512xf32, #tpu.memory_space<vmem>>, vector<16xf32>,
      %max3A_1441 = arith.maximumf %max3A_1435, %get3A_1440 : vector<16xf32>
      %get3A_1442 = arith.constant 464 : index
      %get3A_1443 = tpu.vector_load %arg12[%get3A_1442] {strides = array<i32>} : memref<512xf32, #tpu.memory_space<vmem>>, vector<16xf32>,
      %max3A_1444 = arith.maximumf %max3A_1438, %get3A_1443 : vector<16xf32>
      %get3A_1445 = arith.constant 480 : index
      %get3A_1446 = tpu.vector_load %arg12[%get3A_1445] {strides = array<i32>} : memref<512xf32, #tpu.memory_space<vmem>>, vector<16xf32>,
      %max3A_1447 = arith.maximumf %max3A_1441, %get3A_1446 : vector<16xf32>
      %get3A_1448 = arith.constant 496 : index
      %get3A_1449 = tpu.vector_load %arg12[%get3A_1448] {strides = array<i32>} : memref<512xf32, #tpu.memory_space<vmem>>, vector<16xf32>,
      %max3A_1450 = arith.maximumf %max3A_1444, %get3A_1449 : vector<16xf32>
      %reduce_max3A_1451 = arith.constant true
      %reduce_max3A_1452 = vector.broadcast %reduce_max3A_1451 : i1 to vector<16xi1>
      %reduce_max3A_1453 = tpu.scan <max>, %max3A_1447 masked %reduce_max3A_1452 : vector<16xf32>, vector<16xi1> -> vector<16xf32>
      %reduce_max3A_1454 = vector.extract %reduce_max3A_1453[15] : f32 from vector<16xf32>
      %eq3A_1455 = vector.broadcast %reduce_max3A_1454 : f32 to vector<16xf32>
      %eq3A_1456 = arith.cmpf oeq, %max3A_1447, %eq3A_1455 : vector<16xf32>
      %jit3A_1457 = arith.constant 3.000000e+38 : f32
      %broadcast_in_dim3A_1458 = vector.broadcast %jit3A_1457 : f32 to vector<16xf32>
      %select_n3A_1459 = arith.select %eq3A_1456, %max3A_1450, %broadcast_in_dim3A_1458 : vector<16xi1>, vector<16xf32>
      %reduce_min3A_1460 = arith.constant true
      %reduce_min3A_1461 = vector.broadcast %reduce_min3A_1460 : i1 to vector<16xi1>
      %reduce_min3A_1462 = tpu.scan <min>, %select_n3A_1459 masked %reduce_min3A_1461 : vector<16xf32>, vector<16xi1> -> vector<16xf32>
      %reduce_min3A_1463 = vector.extract %reduce_min3A_1462[15] : f32 from vector<16xf32>
      %gt3A_1464 = arith.constant -3.000000e+38 : f32
      %gt3A_1465 = arith.cmpf ogt, %reduce_max3A_1454, %gt3A_1464 : f32
      %convert_element_type3A_1466 = arith.extui %gt3A_1465 : i1 to i32
      %convert_element_type3A_1467 = arith.sitofp %convert_element_type3A_1466 : i32 to f32
      %broadcast_in_dim3A_1468 = vector.broadcast %reduce_min3A_1463 : f32 to vector<16xf32>
      %convert_element_type3A_1469 = arith.fptosi %broadcast_in_dim3A_1468 : vector<16xf32> to vector<16xi32>
      %gather3A = tpu.vector_load_idx %arg5[%convert_element_type3A_1469] : memref<5120xf32, #tpu.memory_space<vmem>>[vector<16xi32>], vector<16xf32>,
      %gather3A_1470 = tpu.vector_load_idx %arg6[%convert_element_type3A_1469] : memref<5120xf32, #tpu.memory_space<vmem>>[vector<16xi32>], vector<16xf32>,
      %gather3A_1471 = tpu.vector_load_idx %arg7[%convert_element_type3A_1469] : memref<5120xf32, #tpu.memory_space<vmem>>[vector<16xi32>], vector<16xf32>,
      %gather3A_1472 = tpu.vector_load_idx %arg8[%convert_element_type3A_1469] : memref<5120xf32, #tpu.memory_space<vmem>>[vector<16xi32>], vector<16xf32>,
      %mul3A_1473 = arith.mulf %reduce_max3A_1454, %convert_element_type3A_1467 : f32
      %eq3A_1474 = arith.constant 0 : i32
      %eq3A_1475 = vector.broadcast %eq3A_1474 : i32 to vector<16xi32>
      %eq3A_1476 = arith.cmpi eq, %iota3A, %eq3A_1475 : vector<16xi32>
      %mul3A_1477 = vector.broadcast %convert_element_type3A_1467 : f32 to vector<16xf32>
      %mul3A_1478 = arith.mulf %gather3A, %mul3A_1477 : vector<16xf32>
      %eq3A_1479 = arith.constant 1 : i32
      %eq3A_1480 = vector.broadcast %eq3A_1479 : i32 to vector<16xi32>
      %eq3A_1481 = arith.cmpi eq, %iota3A, %eq3A_1480 : vector<16xi32>
      %mul3A_1482 = vector.broadcast %convert_element_type3A_1467 : f32 to vector<16xf32>
      %mul3A_1483 = arith.mulf %gather3A_1470, %mul3A_1482 : vector<16xf32>
      %eq3A_1484 = arith.constant 2 : i32
      %eq3A_1485 = vector.broadcast %eq3A_1484 : i32 to vector<16xi32>
      %eq3A_1486 = arith.cmpi eq, %iota3A, %eq3A_1485 : vector<16xi32>
      %mul3A_1487 = vector.broadcast %convert_element_type3A_1467 : f32 to vector<16xf32>
      %mul3A_1488 = arith.mulf %gather3A_1471, %mul3A_1487 : vector<16xf32>
      %eq3A_1489 = arith.constant 3 : i32
      %eq3A_1490 = vector.broadcast %eq3A_1489 : i32 to vector<16xi32>
      %eq3A_1491 = arith.cmpi eq, %iota3A, %eq3A_1490 : vector<16xi32>
      %mul3A_1492 = vector.broadcast %convert_element_type3A_1467 : f32 to vector<16xf32>
      %mul3A_1493 = arith.mulf %gather3A_1472, %mul3A_1492 : vector<16xf32>
      %eq3A_1494 = arith.constant 5 : i32
      %eq3A_1495 = vector.broadcast %eq3A_1494 : i32 to vector<16xi32>
      %eq3A_1496 = arith.cmpi eq, %iota3A, %eq3A_1495 : vector<16xi32>
      %jit3A_1497 = arith.constant 0.000000e+00 : f32
      %broadcast_in_dim3A_1498 = vector.broadcast %mul3A_1473 : f32 to vector<16xf32>
      %broadcast_in_dim3A_1499 = vector.broadcast %jit3A_1497 : f32 to vector<16xf32>
      %select_n3A_1500 = arith.select %eq3A_1496, %broadcast_in_dim3A_1498, %broadcast_in_dim3A_1499 : vector<16xi1>, vector<16xf32>
      %select_n3A_1501 = arith.select %eq3A_1491, %mul3A_1493, %select_n3A_1500 : vector<16xi1>, vector<16xf32>
      %select_n3A_1502 = arith.select %eq3A_1486, %mul3A_1488, %select_n3A_1501 : vector<16xi1>, vector<16xf32>
      %select_n3A_1503 = arith.select %eq3A_1481, %mul3A_1483, %select_n3A_1502 : vector<16xi1>, vector<16xf32>
      %select_n3A_1504 = arith.select %eq3A_1476, %mul3A_1478, %select_n3A_1503 : vector<16xi1>, vector<16xf32>
      %mul3A_1505 = arith.constant 16 : i32
      %mul3A_1506 = arith.muli %scan3A_312, %mul3A_1505 : i32
      %swap3A_1507 = arith.index_cast %mul3A_1506 : i32 to index
      %swap3A_1508 = tpu.vector_load %arg13[%swap3A_1507] {strides = array<i32>} : memref<1600xf32, #tpu.memory_space<vmem>>, vector<16xf32>,
      tpu.vector_store %arg13[%swap3A_1507], %select_n3A_1504 {strides = array<i32>} : memref<1600xf32, #tpu.memory_space<vmem>>, vector<16xf32>,
      scf.yield %broadcast_in_dim3A_1468, %gather3A, %gather3A_1470, %gather3A_1471, %gather3A_1472 : vector<16xf32>, vector<16xf32>, vector<16xf32>, vector<16xf32>, vector<16xf32>
    }
    %scan3A_308 = arith.constant 100 : i32
    %eq3A = arith.constant 0 : i32
    %eq3A_309 = arith.cmpi eq, %arg1, %eq3A : i32
    %convert_element_type3A_310 = arith.extui %eq3A_309 : i1 to i32
    %cond3A = arith.constant 0 : i32
    %cond3A_311 = arith.cmpi ne, %convert_element_type3A_310, %cond3A : i32
    scf.if %cond3A_311 {
      "tpu.region"() ({
        %run_scoped3A_312 = tpu.sem_alloc : memref<!tpu.dma_semaphore, #tpu.memory_space<semaphore_mem>>
        tpu.enqueue_dma source(%arg13 : memref<1600xf32, #tpu.memory_space<vmem>>) target(%arg4 : memref<1600xf32, #tpu.memory_space<hbm>>) target_semaphore(%run_scoped3A_312 : memref<!tpu.dma_semaphore, #tpu.memory_space<semaphore_mem>>)
        tpu.wait_dma2 semaphore(%run_scoped3A_312 : memref<!tpu.dma_semaphore, #tpu.memory_space<semaphore_mem>>) src(%arg13 : memref<1600xf32, #tpu.memory_space<vmem>>) dst(%arg4 : memref<1600xf32, #tpu.memory_space<hbm>>)
        tpu.yield
      }) : () -> ()
    } else {
    }
    return
  }
}

</mosaic_0001>

<sc_bundles>
// kernel: kernel.3.cloned.1.call-start
scs
__scs_entry_jumppad:
0x0: {  	(pc) =	sbr.rel $0x88, $3  }
0x1: {  	(tag) =	ssettag $0x0;
	lr =	simm.s32 $0x1  }
0x2: {  	[smem:$0x3F9F] =	sst lr;
	_ =	strace $0xD0000000  }
0x3: {  	_ = 	snop  }
0x4: {  	_ = 	snop  }
0x5: {  	_ = 	snop  }
0x6: {  	_ = 	snop  }
0x7: {  	_ = 	snop  }
__scs_overlays_trampoline_lowered:
0x8: {  	[smem:$0x3FAE] =	sst s0  }
0x9: {  	[smem:$0x3FAF] =	sst s1  }
0xa: {  	[smem:$0x3FB0] =	sst s2  }
0xb: {  	[smem:$0x3FB1] =	sst s3  }
0xc: {  	[smem:$0x3FB2] =	sst s4  }
0xd: {  	[smem:$0x3FB3] =	sst s5  }
0xe: {  	[smem:$0x3FB4] =	sst s6  }
0xf: {  	[smem:$0x3FB5] =	sst s7  }
0x10: {  	[smem:$0x3FB6] =	sst s8  }
0x11: {  	[smem:$0x3FB7] =	sst s9;
	s0 =	simm.s32 @!p0 $0x0  }
0x12: {  	s1 =	sld [smem:$0x3F9D];
	s0 =	simm.s32 @p0 $0x1  }
0x13: {  	[smem:$0x3FB8] =	sst s0;
	s0 =	simm.s32 @!p1 $0x0  }
0x14: {  	s2 =	sld [smem:$0x3F9C];
	s0 =	simm.s32 @p1 $0x1  }
0x15: {  	[smem:$0x3FB9] =	sst s0;
	s0 =	simm.s32 @!p2 $0x0  }
0x16: {  	s3 =	sld [smem:$0x3FDB];
	s0 =	simm.s32 @p2 $0x1  }
0x17: {  	s4 =	simm.s32 $0x1BF5;
	[smem:$0x3FBB] =	sst s0  }
0x18: {  	s0 =	sld [smem:$0x3F9E];
	_ =	swait.ge [sflag:s4], $0x0  }
0x19: {  	s7 =	sld [smem:$0x3F9F]  }
0x1a: {  	s8 =	sadd.s32 $0xFFFFE003, lr  }
0x1b: {  	s9 =	sadd.s32 $0xFFFFFEF7, lr;
	s5 =	simm.s32 $0xFFFFFFFF;
	p2 =	slt.u32 s8, $0xFFFFF086  }
0x1c: {  	p1 =	slt.u32 s9, $0xF7A;
	s5 =	simm.s32 @!p2 $0x0  }
0x1d: {  	s5 =	simm.s32 @p1 $0x1;
	p0 =	seq.s32 s7, s2  }
0x1e: {  	s7 =	smul.u32 @!p0 $0xF7A, s2;
	p2 =	seq.s32 @!p0 s5, $0x0  }
0x1f: {  	s9 =	smul.u32 $0xF7A, s1;
	s8 =	simm.s32 @!p0 $0x1BF5;
	p2 =	por !p2, p0  }
0x20: {  	[sflag:s8] =	ssyncset.s32 @!p0 $0xFFFFF086;
	s6 =	sadd.s32 @!p0 s3, s7;
	s7 =	simm.s32 @!p0 $0x108  }
0x21: {  	s3 =	sadd.s32 s3, s9;
	s6 =	sadd.s32 @!p0 $0x88, s6;
	s7 =	simm.s32 @p2 $0x1082  }
0x22: {  	[simem:s7], [sflag:s8] =	dma.local @!p0 [hbm:s6], $0xF7A  }
0x23: {  	s9 =	sor.u32 $0xD0000000, s2;
	s6 =	simm.s32 $0x108;
	_ =	swait.ge @!p0 [sflag:s8], $0x0  }
0x24: {  	s3 =	sadd.s32 $0x88, s3;
	s6 =	simm.s32 @!p1 $0x1082;
	[sflag:s4] =	ssyncset.s32 $0xFFFFF086  }
0x25: {  	[simem:s6], [sflag:s4] =	dma.local [hbm:s3], $0xF7A  }
0x26: {  	[smem:$0x3F9F] =	sst s1;
	(tag) =	ssettag s2;
	_ =	strace s9  }
0x27: {  	s1 =	sld [smem:$0x3FAF]  }
0x28: {  	s2 =	sld [smem:$0x3FB0]  }
0x29: {  	s4 =	sld [smem:$0x3FB2]  }
0x2a: {  	p0 =	seq.s32 s5, $0x0;
	s5 =	sld [smem:$0x3FB3]  }
0x2b: {  	s6 =	sld [smem:$0x3FB4]  }
0x2c: {  	s7 =	sld [smem:$0x3FB5]  }
0x2d: {  	s3 =	simm.s32 $0x108;
	s8 =	sld [smem:$0x3FB6]  }
0x2e: {  	s3 =	simm.s32 @!p0 $0x1082;
	s9 =	sld [smem:$0x3FB7]  }
0x2f: {  	lr =	sadd.s32 s0, s3;
	s0 =	sld [smem:$0x3FAE]  }
0x30: {  	s3 =	sld [smem:$0x3FB1]  }
0x31: {  	[smem:$0x3FBA] =	sst s10  }
0x32: {  	s10 =	sld [smem:$0x3FB8];
	_ =	sdelay $0x3  }
0x33: {  	p0 =	seq.s32 s10, $0x1;
	s10 =	sld [smem:$0x3FBA];
	_ =	sdelay $0x3  }
0x34: {  	[smem:$0x3FBA] =	sst s10  }
0x35: {  	s10 =	sld [smem:$0x3FB9];
	_ =	sdelay $0x3  }
0x36: {  	p1 =	seq.s32 s10, $0x1;
	s10 =	sld [smem:$0x3FBA];
	_ =	sdelay $0x3  }
0x37: {  	[smem:$0x3FBA] =	sst s10  }
0x38: {  	s10 =	sld [smem:$0x3FBB]  }
0x39: {  	_ = 	snop;
	(pc) =	sbr.ind lr, $3  }
0x3a: {  	_ = 	snop  }
0x3b: {  	_ = 	snop  }
0x3c: {  	p2 =	seq.s32 s10, $0x1;
	s10 =	sld [smem:$0x3FBA]  }
0x3d: {  	_ =	shalt  }
0x3e: {  	_ =	shalt  }
0x3f: {  	_ =	shalt  }
0x40: {  	_ =	shalt  }
0x41: {  	_ =	shalt  }
0x42: {  	_ =	shalt  }
0x43: {  	_ =	shalt  }
0x44: {  	_ =	shalt  }
0x45: {  	_ =	shalt  }
0x46: {  	_ =	shalt  }
0x47: {  	_ =	shalt  }
0x48: {  	_ =	shalt  }
0x49: {  	_ =	shalt  }
0x4a: {  	_ =	shalt  }
0x4b: {  	_ =	shalt  }
0x4c: {  	_ =	shalt  }
0x4d: {  	_ =	shalt  }
0x4e: {  	_ =	shalt  }
0x4f: {  	_ =	shalt  }
0x50: {  	_ =	shalt  }
0x51: {  	_ =	shalt  }
0x52: {  	_ =	shalt  }
0x53: {  	_ =	shalt  }
0x54: {  	_ =	shalt  }
0x55: {  	_ =	shalt  }
0x56: {  	_ =	shalt  }
0x57: {  	_ =	shalt  }
0x58: {  	_ =	shalt  }
0x59: {  	_ =	shalt  }
0x5a: {  	_ =	shalt  }
0x5b: {  	_ =	shalt  }
0x5c: {  	_ =	shalt  }
0x5d: {  	_ =	shalt  }
0x5e: {  	_ =	shalt  }
0x5f: {  	_ =	shalt  }
0x60: {  	_ =	shalt  }
0x61: {  	_ =	shalt  }
0x62: {  	_ =	shalt  }
0x63: {  	_ =	shalt  }
0x64: {  	_ =	shalt  }
0x65: {  	_ =	shalt  }
0x66: {  	_ =	shalt  }
0x67: {  	_ =	shalt  }
0x68: {  	_ =	shalt  }
0x69: {  	_ =	shalt  }
0x6a: {  	_ =	shalt  }
0x6b: {  	_ =	shalt  }
0x6c: {  	_ =	shalt  }
0x6d: {  	_ =	shalt  }
0x6e: {  	_ =	shalt  }
0x6f: {  	_ =	shalt  }
0x70: {  	_ =	shalt  }
0x71: {  	_ =	shalt  }
0x72: {  	_ =	shalt  }
0x73: {  	_ =	shalt  }
0x74: {  	_ =	shalt  }
0x75: {  	_ =	shalt  }
0x76: {  	_ =	shalt  }
0x77: {  	_ =	shalt  }
0x78: {  	_ =	shalt  }
0x79: {  	_ =	shalt  }
0x7a: {  	_ =	shalt  }
0x7b: {  	_ =	shalt  }
0x7c: {  	_ =	shalt  }
0x7d: {  	_ =	shalt  }
0x7e: {  	_ =	shalt  }
0x7f: {  	_ =	shalt  }
0x80: {  	_ =	shalt  }
0x81: {  	_ =	shalt  }
0x82: {  	_ =	shalt  }
0x83: {  	_ =	shalt  }
0x84: {  	_ =	shalt  }
0x85: {  	_ =	shalt  }
0x86: {  	_ =	shalt  }
0x87: {  	_ =	shalt  }
.Lfunc_end0:
.L_simem_size_0:
called_computation_lowered:
.L_overlay_start_0:
0x88: {  	s0 =	sld [smem:$0x3FD9]  }
0x89: {  	s1 =	sld [smem:$0x3FFE];
	_ =	sdelay $0x3  }
0x8a: {  	s0 =	sadd.s32 s1, s0  }
0x8b: {  	[smem:$0x3FC6] =	sst s0  }
0x8c: {  	_ = 	snop  }
0x8d: {  	(tm) =	ssettm $0x1  }
0x8e: {  	s15 =	sld [smem:$0x3FFB];
	_ =	sdelay $0x3  }
0x8f: {  	_ =	strace s15  }
0x90: {  	s0 =	sld [smem:$0x3FFC];
	_ =	sdelay $0x3  }
0x91: {  	_ =	strace s0  }
0x92: {  	s0 =	sld [smem:$0x3FFD];
	_ =	sdelay $0x3  }
0x93: {  	_ =	strace s0  }
0x94: {  	_ =	strace $0x8FFFFFFF  }
0x95: {  	s16 =	sld [smem:$0x3FDB];
	_ =	sdelay $0x1  }
0x96: {  	s17 =	simm.s32 $_scs_section_size  }
0x97: {  	s2 =	simm.s32 $_size__tile_overlayer_lowered;
	s3 =	simm.s32 $_tile_overlayer_lowered  }
0x98: {  	s20 =	simm.s32 $0x1BFF;
	s19 =	sshll.u32 s3, $0x1;
	s0 =	sadd.s32 s17, s16  }
0x99: {  	s4 =	simm.s32 $0x0;
	s18 =	sshll.u32 s2, $0x1;
	s2 =	sadd.s32 s19, s0  }
0x9a: {  	[timem:s4], [sflag:s20] =	dma.local [hbm:s2], s18  }
0x9b: {  	_ =	swait.ge [sflag:s20], s18  }
0x9c: {  	s1 =	ssub.s32 $0x0, s18;
	[sflag:s20] =	ssyncset.done $0x0  }
0x9d: {  	[sflag:s20] =	ssyncadd.s32 s1;
	_ =	sdelay $0x1  }
0x9e: {  	s21 =	simm.s32 $0x1B8B  }
0x9f: {  	_ =	swait.ge [sflag:s21], $0x1  }
0xa0: {  	[sflag:s21] =	ssyncset.done $0x0  }
0xa1: {  	s23 =	simm.s32 $0x1B8E;
	s22 =	sld [smem:$0x3FFE];
	[sflag:s21] =	ssyncadd.s32 $0xFFFFFFFF  }
0xa2: {  	s24 =	simm.s32 $execute0_lowered;
	[smem:$0x3FD2] =	sst s23  }
0xa3: {  	s2 =	sshll.u32 s24, $0x1;
	_ =	strace $0x80000046;
	[dreg:$0x1] =	wrdreg $0xFFFFFFFF  }
0xa4: {  	s25 =	simm.s32 $_size_execute0_lowered;
	s0 =	sadd.s32 s0, s2;
	[dreg:$0x0] =	wrdreg $0x0  }
0xa5: {  	s2 =	sshll.u32 s25, $0x1;
	[dreg:$0x2] =	wrdreg s0  }
0xa6: {  	[dreg:$0x3] =	wrdreg s2  }
0xa7: {  	[dreg:$0x4] =	wrdreg $0xC0  }
0xa8: {  	_ =	task [dreg:s4], $0x5FFFF  }
0xa9: {  	[dreg:$0x1] =	wrdreg $0xFFFFFFFF  }
0xaa: {  	[dreg:$0x0] =	wrdreg $0x60  }
0xab: {  	[dreg:$0x2] =	wrdreg s22  }
0xac: {  	[dreg:$0x3] =	wrdreg $0x5C000  }
0xad: {  	[dreg:$0x4] =	wrdreg $0x9  }
0xae: {  	_ =	task.clear_ibuf [dreg:s4], $0x5FFFF;
	_ =	strace $0x90000046  }
0xaf: {  	s26 =	simm.s32 $0x9;
	_ =	strace $0x80000048  }
0xb0: {  	_ =	swait.ge [sflag:s26], $0x1  }
0xb1: {  	[sflag:s26] =	ssyncadd.s32 $0xFFFFFFFF  }
0xb2: {  	_ =	strace $0x90000048  }
0xb3: {  	_ =	sfence  }
0xb4: {  	s28 =	sld [smem:$0x0];
	_ =	sdelay $0x1  }
0xb5: {  	s29 =	srdreg.scid  }
0xb6: {  	s30 =	sshll.u32 s29, $0xD;
	s31 =	sshrl.u32 s29, $0x2  }
0xb7: {  	s1 =	sand.u32 $0x1, s29;
	s2 =	sand.u32 $0x4000, s30;
	s0 =	sadd.s32 s31, s28  }
0xb8: {  	s1 =	sor.u32 s2, s1;
	s0 =	sshll.u32 s0, $0x11  }
0xb9: {  	s0 =	sor.u32 s0, s1  }
0xba: {  	s0 =	sadd.s32 $0x8F2B, s0  }
0xbb: {  	[sflag:s0] =	ssyncadd.remote.s32 $0x1  }
0xbc: {  	_ =	sfence.sel $0xFFFF  }
0xbd: {  	[dreg:$0x0] =	wrdreg $0xFFFFFFFF;
	(pc) =	sbr.abs _section_cstart, $3  }
0xbe: {  	[dreg:$0x1] =	wrdreg $0xFFFFFFFF  }
0xbf: {  	_ =	task.clear_ibuf [dreg:s4], $0x2FFFF;
	_ =	strace $0x9FFFFFFF  }
0xc0: {  	(tm) =	ssettm $0x7FFFFFFF  }
0xc1: {  	_ =	shalt  }
tec
execute0_lowered:
.L_overlay_start_1:
0x0: {  	(tag) =	ssettag $0x1  }
0x1: {  	s28 =	rddreg [dreg:$0x0]  }
0x2: {  	s0 =	rddreg [dreg:$0x1]  }
0x3: {  	s1 =	simm.s32 $0x0;
	[dreg:$0x3] =	wrdreg s0  }
0x4: {  	s8 =	simm.s32 $0x80;
	[smem:$0x7FF] =	sst s1  }
0x5: {  	s9 =	simm.s32 $0x200;
	s2 =	sadd.s32 $0x200, s28;
	_ =	strace $0x80000047  }
0x6: {  	[tilespmem:s1], [sflag:$0x1] =	stream.strided.gather [hbm4b:s2+s8], $0x1400, s9, s8, $0x38;
	[tilespmem:$0x5C40] =	vst v63  }
0x7: {  	s2 =	simm.s32 $0x1  }
0x8: {  	_ =	swait.ge [sflag:s2], $0x1400  }
0x9: {  	[sflag:s2] =	ssyncset.done $0x0  }
0xa: {  	s3 =	simm.s32 $0x1400;
	s4 =	sadd.s32 $0x210, s28;
	[sflag:s2] =	ssyncadd.s32 $0xFFFFEC00  }
0xb: {  	[tilespmem:s3], [sflag:$0x1] =	stream.strided.gather [hbm4b:s4+s8], $0x1400, s9, s8, $0x38;
	[tilespmem:$0x5C40] =	vst v63  }
0xc: {  	_ =	swait.ge [sflag:s2], $0x1400  }
0xd: {  	[sflag:s2] =	ssyncset.done $0x0  }
0xe: {  	s5 =	sadd.s32 $0x220, s28;
	s4 =	simm.s32 $0x2800;
	[sflag:s2] =	ssyncadd.s32 $0xFFFFEC00  }
0xf: {  	[tilespmem:s4], [sflag:$0x1] =	stream.strided.gather [hbm4b:s5+s8], $0x1400, s9, s8, $0x38;
	[tilespmem:$0x5C40] =	vst v63  }
0x10: {  	_ =	swait.ge [sflag:s2], $0x1400  }
0x11: {  	s7 =	simm.s32 $0x3C00;
	s0 =	stileid.u32;
	[sflag:s2] =	ssyncset.done $0x0  }
0x12: {  	s10 =	sadd.s32 $0x230, s28;
	s6 =	smul.u32 $0x140, s0;
	[sflag:s2] =	ssyncadd.s32 $0xFFFFEC00  }
0x13: {  	[tilespmem:s7], [sflag:$0x1] =	stream.strided.gather [hbm4b:s10+s8], $0x1400, s9, s8, $0x38;
	[tilespmem:$0x5C40] =	vst v63  }
0x14: {  	s23 =	sshrl.u32 s6, $0x3;
	_ =	swait.ge [sflag:s2], $0x1400  }
0x15: {  	s8 =	sadd.s32 s23, s28;
	[sflag:s2] =	ssyncset.done $0x0  }
0x16: {  	s24 =	simm.s32 $0x5180;
	s8 =	sadd.s32 $0xC00, s8;
	[sflag:s2] =	ssyncadd.s32 $0xFFFFEC00  }
0x17: {  	[tilespmem:s24], [sflag:$0x1] =	stream.linear.gather [hbm4b:s8+s1], $0x140, $0x38;
	[tilespmem:$0x5C40] =	vst v63  }
0x18: {  	_ =	swait.ge [sflag:s2], $0x140  }
0x19: {  	[sflag:s2] =	ssyncset.done $0x0  }
0x1a: {  	[sflag:s2] =	ssyncadd.s32 $0xFFFFFEC0  }
0x1b: {  	v0 =	vld [tilespmem:s6+$0x2800]  }
0x1c: {  	v1 =	vld [tilespmem:s6+$0x0]  }
0x1d: {  	v2 =	vld [tilespmem:s6+$0x3C00]  }
0x1e: {  	v3 =	vld [tilespmem:s6+$0x1400];
	_ =	sdelay $0x4  }
0x1f: {  	v0 =	vsub.f32 v0, v1;
	v1 =	vsub.f32 v2, v3;
	_ =	sdelay $0x1  }
0x20: {  	v0 =	vmul.f32 v1, v0;
	_ =	sdelay $0x1  }
0x21: {  	[tilespmem:$0x5000] =	vst v0  }
0x22: {  	v0 =	vld [tilespmem:s6+$0x2810]  }
0x23: {  	v1 =	vld [tilespmem:s6+$0x10]  }
0x24: {  	v2 =	vld [tilespmem:s6+$0x3C10]  }
0x25: {  	v3 =	vld [tilespmem:s6+$0x1410];
	_ =	sdelay $0x4  }
0x26: {  	v0 =	vsub.f32 v0, v1;
	v1 =	vsub.f32 v2, v3;
	_ =	sdelay $0x1  }
0x27: {  	v0 =	vmul.f32 v1, v0;
	_ =	sdelay $0x1  }
0x28: {  	[tilespmem:$0x5010] =	vst v0  }
0x29: {  	v0 =	vld [tilespmem:s6+$0x2820]  }
0x2a: {  	v1 =	vld [tilespmem:s6+$0x20]  }
0x2b: {  	v2 =	vld [tilespmem:s6+$0x3C20]  }
0x2c: {  	v3 =	vld [tilespmem:s6+$0x1420];
	_ =	sdelay $0x4  }
0x2d: {  	v0 =	vsub.f32 v0, v1;
	v1 =	vsub.f32 v2, v3;
	_ =	sdelay $0x1  }
0x2e: {  	v0 =	vmul.f32 v1, v0;
	_ =	sdelay $0x1  }
0x2f: {  	[tilespmem:$0x5020] =	vst v0  }
0x30: {  	v0 =	vld [tilespmem:s6+$0x2830]  }
0x31: {  	v1 =	vld [tilespmem:s6+$0x30]  }
0x32: {  	v2 =	vld [tilespmem:s6+$0x3C30]  }
0x33: {  	v3 =	vld [tilespmem:s6+$0x1430];
	_ =	sdelay $0x4  }
0x34: {  	v0 =	vsub.f32 v0, v1;
	v1 =	vsub.f32 v2, v3;
	_ =	sdelay $0x1  }
0x35: {  	v0 =	vmul.f32 v1, v0;
	_ =	sdelay $0x1  }
0x36: {  	[tilespmem:$0x5030] =	vst v0  }
0x37: {  	v0 =	vld [tilespmem:s6+$0x2840]  }
0x38: {  	v1 =	vld [tilespmem:s6+$0x40]  }
0x39: {  	v2 =	vld [tilespmem:s6+$0x3C40]  }
0x3a: {  	v3 =	vld [tilespmem:s6+$0x1440];
	_ =	sdelay $0x4  }
0x3b: {  	v0 =	vsub.f32 v0, v1;
	v1 =	vsub.f32 v2, v3;
	_ =	sdelay $0x1  }
0x3c: {  	v0 =	vmul.f32 v1, v0;
	_ =	sdelay $0x1  }
0x3d: {  	[tilespmem:$0x5040] =	vst v0  }
0x3e: {  	v0 =	vld [tilespmem:s6+$0x2850]  }
0x3f: {  	v1 =	vld [tilespmem:s6+$0x50]  }
0x40: {  	v2 =	vld [tilespmem:s6+$0x3C50]  }
0x41: {  	v3 =	vld [tilespmem:s6+$0x1450];
	_ =	sdelay $0x4  }
0x42: {  	v0 =	vsub.f32 v0, v1;
	v1 =	vsub.f32 v2, v3;
	_ =	sdelay $0x1  }
0x43: {  	v0 =	vmul.f32 v1, v0;
	_ =	sdelay $0x1  }
0x44: {  	[tilespmem:$0x5050] =	vst v0  }
0x45: {  	v0 =	vld [tilespmem:s6+$0x2860]  }
0x46: {  	v1 =	vld [tilespmem:s6+$0x60]  }
0x47: {  	v2 =	vld [tilespmem:s6+$0x3C60]  }
0x48: {  	v3 =	vld [tilespmem:s6+$0x1460];
	_ =	sdelay $0x4  }
0x49: {  	v0 =	vsub.f32 v0, v1;
	v1 =	vsub.f32 v2, v3;
	_ =	sdelay $0x1  }
0x4a: {  	v0 =	vmul.f32 v1, v0;
	_ =	sdelay $0x1  }
0x4b: {  	[tilespmem:$0x5060] =	vst v0  }
0x4c: {  	v0 =	vld [tilespmem:s6+$0x2870]  }
0x4d: {  	v1 =	vld [tilespmem:s6+$0x70]  }
0x4e: {  	v2 =	vld [tilespmem:s6+$0x3C70]  }
0x4f: {  	v3 =	vld [tilespmem:s6+$0x1470];
	_ =	sdelay $0x4  }
0x50: {  	v0 =	vsub.f32 v0, v1;
	v1 =	vsub.f32 v2, v3;
	_ =	sdelay $0x1  }
0x51: {  	v0 =	vmul.f32 v1, v0;
	_ =	sdelay $0x1  }
0x52: {  	[tilespmem:$0x5070] =	vst v0  }
0x53: {  	v0 =	vld [tilespmem:s6+$0x2880]  }
0x54: {  	v1 =	vld [tilespmem:s6+$0x80]  }
0x55: {  	v2 =	vld [tilespmem:s6+$0x3C80]  }
0x56: {  	v3 =	vld [tilespmem:s6+$0x1480];
	_ =	sdelay $0x4  }
0x57: {  	v0 =	vsub.f32 v0, v1;
	v1 =	vsub.f32 v2, v3;
	_ =	sdelay $0x1  }
0x58: {  	v0 =	vmul.f32 v1, v0;
	_ =	sdelay $0x1  }
0x59: {  	[tilespmem:$0x5080] =	vst v0  }
0x5a: {  	v0 =	vld [tilespmem:s6+$0x2890]  }
0x5b: {  	v1 =	vld [tilespmem:s6+$0x90]  }
0x5c: {  	v2 =	vld [tilespmem:s6+$0x3C90]  }
0x5d: {  	v3 =	vld [tilespmem:s6+$0x1490];
	_ =	sdelay $0x4  }
0x5e: {  	v0 =	vsub.f32 v0, v1;
	v1 =	vsub.f32 v2, v3;
	_ =	sdelay $0x1  }
0x5f: {  	v0 =	vmul.f32 v1, v0;
	_ =	sdelay $0x1  }
0x60: {  	[tilespmem:$0x5090] =	vst v0  }
0x61: {  	v0 =	vld [tilespmem:s6+$0x28A0]  }
0x62: {  	v1 =	vld [tilespmem:s6+$0xA0]  }
0x63: {  	v2 =	vld [tilespmem:s6+$0x3CA0]  }
0x64: {  	v3 =	vld [tilespmem:s6+$0x14A0];
	_ =	sdelay $0x4  }
0x65: {  	v0 =	vsub.f32 v0, v1;
	v1 =	vsub.f32 v2, v3;
	_ =	sdelay $0x1  }
0x66: {  	v0 =	vmul.f32 v1, v0;
	_ =	sdelay $0x1  }
0x67: {  	[tilespmem:$0x50A0] =	vst v0  }
0x68: {  	v0 =	vld [tilespmem:s6+$0x28B0]  }
0x69: {  	v1 =	vld [tilespmem:s6+$0xB0]  }
0x6a: {  	v2 =	vld [tilespmem:s6+$0x3CB0]  }
0x6b: {  	v3 =	vld [tilespmem:s6+$0x14B0];
	_ =	sdelay $0x4  }
0x6c: {  	v0 =	vsub.f32 v0, v1;
	v1 =	vsub.f32 v2, v3;
	_ =	sdelay $0x1  }
0x6d: {  	v0 =	vmul.f32 v1, v0;
	_ =	sdelay $0x1  }
0x6e: {  	[tilespmem:$0x50B0] =	vst v0  }
0x6f: {  	v0 =	vld [tilespmem:s6+$0x28C0]  }
0x70: {  	v1 =	vld [tilespmem:s6+$0xC0]  }
0x71: {  	v2 =	vld [tilespmem:s6+$0x3CC0]  }
0x72: {  	v3 =	vld [tilespmem:s6+$0x14C0];
	_ =	sdelay $0x4  }
0x73: {  	v0 =	vsub.f32 v0, v1;
	v1 =	vsub.f32 v2, v3;
	_ =	sdelay $0x1  }
0x74: {  	v0 =	vmul.f32 v1, v0;
	_ =	sdelay $0x1  }
0x75: {  	[tilespmem:$0x50C0] =	vst v0  }
0x76: {  	v0 =	vld [tilespmem:s6+$0x28D0]  }
0x77: {  	v1 =	vld [tilespmem:s6+$0xD0]  }
0x78: {  	v2 =	vld [tilespmem:s6+$0x3CD0]  }
0x79: {  	v3 =	vld [tilespmem:s6+$0x14D0];
	_ =	sdelay $0x4  }
0x7a: {  	v0 =	vsub.f32 v0, v1;
	v1 =	vsub.f32 v2, v3;
	_ =	sdelay $0x1  }
0x7b: {  	v0 =	vmul.f32 v1, v0;
	_ =	sdelay $0x1  }
0x7c: {  	[tilespmem:$0x50D0] =	vst v0  }
0x7d: {  	v0 =	vld [tilespmem:s6+$0x28E0]  }
0x7e: {  	v1 =	vld [tilespmem:s6+$0xE0]  }
0x7f: {  	v2 =	vld [tilespmem:s6+$0x3CE0]  }
0x80: {  	v3 =	vld [tilespmem:s6+$0x14E0];
	_ =	sdelay $0x4  }
0x81: {  	v0 =	vsub.f32 v0, v1;
	v1 =	vsub.f32 v2, v3;
	_ =	sdelay $0x1  }
0x82: {  	v0 =	vmul.f32 v1, v0;
	_ =	sdelay $0x1  }
0x83: {  	[tilespmem:$0x50E0] =	vst v0  }
0x84: {  	v0 =	vld [tilespmem:s6+$0x28F0]  }
0x85: {  	v1 =	vld [tilespmem:s6+$0xF0]  }
0x86: {  	v2 =	vld [tilespmem:s6+$0x3CF0]  }
0x87: {  	v3 =	vld [tilespmem:s6+$0x14F0];
	_ =	sdelay $0x4  }
0x88: {  	v0 =	vsub.f32 v0, v1;
	v1 =	vsub.f32 v2, v3;
	_ =	sdelay $0x1  }
0x89: {  	v0 =	vmul.f32 v1, v0;
	_ =	sdelay $0x1  }
0x8a: {  	[tilespmem:$0x50F0] =	vst v0  }
0x8b: {  	v0 =	vld [tilespmem:s6+$0x2900]  }
0x8c: {  	v1 =	vld [tilespmem:s6+$0x100]  }
0x8d: {  	v2 =	vld [tilespmem:s6+$0x3D00]  }
0x8e: {  	v3 =	vld [tilespmem:s6+$0x1500];
	_ =	sdelay $0x4  }
0x8f: {  	v0 =	vsub.f32 v0, v1;
	v1 =	vsub.f32 v2, v3;
	_ =	sdelay $0x1  }
0x90: {  	v0 =	vmul.f32 v1, v0;
	_ =	sdelay $0x1  }
0x91: {  	[tilespmem:$0x5100] =	vst v0  }
0x92: {  	v0 =	vld [tilespmem:s6+$0x2910]  }
0x93: {  	v1 =	vld [tilespmem:s6+$0x110]  }
0x94: {  	v2 =	vld [tilespmem:s6+$0x3D10]  }
0x95: {  	v3 =	vld [tilespmem:s6+$0x1510];
	_ =	sdelay $0x3  }
0x96: {  	v4 =	vimm.f32 $1.500000000e+01  }
0x97: {  	vm0 =	vcmask $0x300;
	v0 =	vsub.f32 v0, v1;
	v1 =	vsub.f32 v2, v3  }
0x98: {  	v2 =	vsel vm0, $0x0, v4;
	vm0 =	vcmask $0x704  }
0x99: {  	v2 =	vsel vm0, $0x3F800000, v2;
	vm0 =	vcmask $0xB08;
	v0 =	vmul.f32 v1, v0  }
0x9a: {  	v1 =	vsel vm0, $0x40000000, v2;
	vm0 =	vcmask $0xF0C  }
0x9b: {  	v1 =	vsel vm0, $0x40400000, v1;
	vm0 =	vcmask $0x1310;
	[tilespmem:$0x5110] =	vst v0  }
0x9c: {  	v0 =	vsel vm0, $0x40800000, v1;
	v1 =	vld [tilespmem:s6+$0x2920]  }
0x9d: {  	vm0 =	vcmask $0x1714;
	v2 =	vld [tilespmem:s6+$0x120]  }
0x9e: {  	v0 =	vsel vm0, $0x40A00000, v0;
	vm0 =	vcmask $0x1B18;
	v3 =	vld [tilespmem:s6+$0x3D20]  }
0x9f: {  	v4 =	vld [tilespmem:s6+$0x1520];
	v0 =	vsel vm0, $0x40C00000, v0;
	vm0 =	vcmask $0x1F1C  }
0xa0: {  	v0 =	vsel vm0, $0x40E00000, v0;
	vm0 =	vcmask $0x2320  }
0xa1: {  	v0 =	vsel vm0, $0x41000000, v0;
	vm0 =	vcmask $0x2724  }
0xa2: {  	v0 =	vsel vm0, $0x41100000, v0;
	vm0 =	vcmask $0x2B28  }
0xa3: {  	s11 =	sadd.s32 $0x40, s6;
	s12 =	sadd.s32 $0x50, s6;
	v0 =	vsel vm0, $0x41200000, v0;
	vm0 =	vcmask $0x2F2C;
	v1 =	vsub.f32 v1, v2  }
0xa4: {  	s13 =	sadd.s32 $0x60, s6;
	s14 =	sadd.s32 $0x70, s6;
	s15 =	sadd.s32 $0x80, s6;
	v2 =	vsub.f32 v3, v4;
	v0 =	vsel vm0, $0x41300000, v0;
	vm0 =	vcmask $0x3330  }
0xa5: {  	s16 =	sadd.s32 $0x90, s6;
	s20 =	scvt.s32.f32 s6;
	s8 =	sor.u32 $0x10, s6;
	v0 =	vsel vm0, $0x41400000, v0;
	vm0 =	vcmask $0x3734  }
0xa6: {  	s9 =	sor.u32 $0x20, s6;
	s10 =	sor.u32 $0x30, s6;
	s21 =	scvt.s32.f32 s8;
	v2 =	vmul.f32 v2, v1;
	v0 =	vsel vm0, $0x41500000, v0;
	vm0 =	vcmask $0x3B38  }
0xa7: {  	s17 =	sadd.s32 $0xA0, s6;
	s22 =	scvt.s32.f32 s9;
	s23 =	scvt.s32.f32 s10;
	v19 =	vsel vm0, $0x41600000, v0  }
0xa8: {  	s18 =	sadd.s32 $0xB0, s6;
	s25 =	scvt.s32.f32 s11;
	s24 =	scvt.s32.f32 s12;
	[tilespmem:$0x5120] =	vst v2;
	v0 =	vadd.f32 s20, v19;
	v1 =	vadd.f32 s21, v19  }
0xa9: {  	s19 =	sadd.s32 $0xC0, s6;
	s26 =	scvt.s32.f32 s13;
	s31 =	scvt.s32.f32 s14;
	v2 =	vadd.f32 s22, v19;
	v3 =	vadd.f32 s23, v19;
	v18 =	vld [tilespmem:s6+$0x2930]  }
0xaa: {  	s29 =	scvt.s32.f32 s18;
	s5 =	scvt.s32.f32 s15;
	s20 =	sadd.s32 $0xD0, s6;
	v4 =	vadd.f32 s25, v19;
	v5 =	vadd.f32 s24, v19;
	v20 =	vld [tilespmem:s6+$0x130]  }
0xab: {  	s21 =	sadd.s32 $0xE0, s6;
	s25 =	scvt.s32.f32 s16;
	v6 =	vadd.f32 s26, v19;
	v7 =	vadd.f32 s31, v19;
	v21 =	vld [tilespmem:s6+$0x3D30];
	s26 =	scvt.s32.f32 s17  }
0xac: {  	s22 =	sadd.s32 $0xF0, s6;
	v8 =	vadd.f32 s5, v19;
	v22 =	vld [tilespmem:s6+$0x1530];
	s31 =	scvt.s32.f32 s19;
	v11 =	vadd.f32 s29, v19;
	s30 =	scvt.s32.f32 s20  }
0xad: {  	s24 =	sadd.s32 $0x110, s6;
	s5 =	scvt.s32.f32 s21;
	s29 =	scvt.s32.f32 s22;
	v9 =	vadd.f32 s25, v19;
	v10 =	vadd.f32 s26, v19  }
0xae: {  	v12 =	vadd.f32 s31, v19;
	s31 =	scvt.s32.f32 s24;
	s25 =	sadd.s32 $0x120, s6;
	v13 =	vadd.f32 s30, v19  }
0xaf: {  	s23 =	sadd.s32 $0x100, s6;
	v14 =	vadd.f32 s5, v19;
	v15 =	vadd.f32 s29, v19;
	s29 =	scvt.s32.f32 s25;
	s5 =	sshll.u32 s0, $0x7  }
0xb0: {  	s30 =	scvt.s32.f32 s23;
	v17 =	vadd.f32 s31, v19;
	s31 =	sshrl.u32 s5, $0x2;
	v20 =	vsub.f32 v18, v20  }
0xb1: {  	s26 =	sadd.s32 $0x130, s6;
	v21 =	vsub.f32 v21, v22;
	v18 =	vadd.f32 s29, v19;
	[dreg:$0x4] =	wrdreg s31;
	s29 =	simm.s32 $0x5300  }
0xb2: {  	v24 =	vlaneseq.u32;
	v16 =	vadd.f32 s30, v19;
	s30 =	scvt.s32.f32 s26;
	v22 =	vmov s0;
	s31 =	sadd.s32 $0x1000, s28;
	[dreg:$0x5] =	wrdreg s29  }
0xb3: {  	vm5 =	vmmov $0x1;
	s29 =	simm.s32 $0x5380;
	vm1 =	veq.s32 v22, v24;
	[dreg:$0x8] =	wrdreg s31;
	v23 =	vmul.f32 v21, v20  }
0xb4: {  	v22 =	vimm.f32 $0.0e+00;
	v24 =	vimm.f32 $0.0e+00;
	v19 =	vadd.f32 s30, v19;
	[dreg:$0x6] =	wrdreg s29;
	s29 =	simm.f32 $1.000000000e+00  }
0xb5: {  	v20 =	vimm.f32 $-1.000000000e+00;
	v21 =	vimm.f32 $0.0e+00;
	s30 =	simm.s32 $0x0;
	[dreg:$0x7] =	wrdreg s29;
	s29 =	simm.s32 $0x5580;
	[tilespmem:$0x5130] =	vst v23;
	v23 =	vimm.f32 $0.0e+00  }
.LBB2_1:
0xb6: {  	v25 =	vld [tilespmem:s6+$0x0]  }
0xb7: {  	v26 =	vld [tilespmem:s6+$0x1400]  }
0xb8: {  	v27 =	vld [tilespmem:s6+$0x2800]  }
0xb9: {  	v28 =	vld [tilespmem:s6+$0x3C00];
	_ =	sdelay $0x3  }
0xba: {  	v29 =	vsub.f32 v22, v24;
	v30 =	vsub.f32 v21, v23;
	v31 =	vld [tilespmem:$0x5000];
	v25 =	vmax.f32 v24, v25  }
0xbb: {  	v26 =	vmax.f32 v23, v26;
	v27 =	vmin.f32 v22, v27;
	v28 =	vmin.f32 v21, v28  }
0xbc: {  	v27 =	vsub.f32 v27, v25;
	v26 =	vsub.f32 v28, v26  }
0xbd: {  	v25 =	vmul.f32 v30, v29  }
0xbe: {  	v27 =	vmax.f32 v27, $0.0e+00;
	v26 =	vmax.f32 v26, $0.0e+00  }
0xbf: {  	v26 =	vmul.f32 v26, v27;
	v27 =	vadd.f32 v31, v25;
	_ =	sdelay $0x1  }
0xc0: {  	v27 =	vsub.f32 v27, v26;
	_ =	sdelay $0x1  }
0xc1: {  	v27 =	vadd.f32 $9.999999930e-09, v27;
	_ =	sdelay $0x1  }
0xc2: {  	(erf) = vrcp.f32 v27;
	_ =	sdelay $0x8  }
0xc3: {  	v27 =	vld [tilespmem:$0x5180];
	v45 =	vpop (erf)  }
0xc4: {  	v26 =	vmul.f32 v45, v26  }
0xc5: {  	vm0 =	vlt.f32 v0, v20;
	vm2 =	vgt.f32 v0, v20  }
0xc6: {  	vm0 =	vmor vm2, vm0;
	vm3 =	vle.f32 v26, $5.000000000e-01  }
0xc7: {  	vm0 =	vmand vm0, vm3  }
0xc8: {  	v26 =	vnsel vm0, $0xFF800000, v27  }
0xc9: {  	[tilespmem:$0x5180] =	vst v26  }
0xca: {  	v27 =	vld [tilespmem:s8+$0x0]  }
0xcb: {  	v46 =	vld [tilespmem:s8+$0x1400]  }
0xcc: {  	v47 =	vld [tilespmem:s8+$0x2800]  }
0xcd: {  	v48 =	vld [tilespmem:s8+$0x3C00];
	_ =	sdelay $0x3  }
0xce: {  	v49 =	vld [tilespmem:$0x5010];
	v27 =	vmax.f32 v24, v27  }
0xcf: {  	v28 =	vmax.f32 v23, v46;
	v29 =	vmin.f32 v22, v47;
	v30 =	vmin.f32 v21, v48  }
0xd0: {  	v27 =	vsub.f32 v29, v27;
	v28 =	vsub.f32 v30, v28;
	_ =	sdelay $0x1  }
0xd1: {  	v27 =	vmax.f32 v27, $0.0e+00;
	v28 =	vmax.f32 v28, $0.0e+00  }
0xd2: {  	v50 =	vadd.f32 v49, v25;
	v27 =	vmul.f32 v28, v27;
	_ =	sdelay $0x1  }
0xd3: {  	v28 =	vsub.f32 v50, v27;
	_ =	sdelay $0x1  }
0xd4: {  	v28 =	vadd.f32 $9.999999930e-09, v28;
	_ =	sdelay $0x1  }
0xd5: {  	(erf) = vrcp.f32 v28;
	_ =	sdelay $0x8  }
0xd6: {  	v51 =	vld [tilespmem:$0x5190];
	v52 =	vpop (erf)  }
0xd7: {  	v27 =	vmul.f32 v52, v27  }
0xd8: {  	vm2 =	vgt.f32 v1, v20;
	vm0 =	vlt.f32 v1, v20  }
0xd9: {  	vm0 =	vmor vm2, vm0;
	vm3 =	vle.f32 v27, $5.000000000e-01  }
0xda: {  	vm0 =	vmand vm0, vm3  }
0xdb: {  	v27 =	vnsel vm0, $0xFF800000, v51  }
0xdc: {  	[tilespmem:$0x5190] =	vst v27  }
0xdd: {  	v53 =	vld [tilespmem:s9+$0x0]  }
0xde: {  	v54 =	vld [tilespmem:s9+$0x1400]  }
0xdf: {  	v55 =	vld [tilespmem:s9+$0x2800]  }
0xe0: {  	v56 =	vld [tilespmem:s9+$0x3C00];
	_ =	sdelay $0x3  }
0xe1: {  	v32 =	vld [tilespmem:$0x5020];
	v28 =	vmax.f32 v24, v53  }
0xe2: {  	v29 =	vmax.f32 v23, v54;
	v30 =	vmin.f32 v22, v55;
	v31 =	vmin.f32 v21, v56  }
0xe3: {  	v28 =	vsub.f32 v30, v28;
	v29 =	vsub.f32 v31, v29;
	_ =	sdelay $0x1  }
0xe4: {  	v28 =	vmax.f32 v28, $0.0e+00;
	v29 =	vmax.f32 v29, $0.0e+00  }
0xe5: {  	v57 =	vadd.f32 v32, v25;
	v28 =	vmul.f32 v29, v28;
	_ =	sdelay $0x1  }
0xe6: {  	v29 =	vsub.f32 v57, v28;
	_ =	sdelay $0x1  }
0xe7: {  	v29 =	vadd.f32 $9.999999930e-09, v29;
	_ =	sdelay $0x1  }
0xe8: {  	(erf) = vrcp.f32 v29;
	_ =	sdelay $0x8  }
0xe9: {  	v58 =	vld [tilespmem:$0x51A0];
	v59 =	vpop (erf)  }
0xea: {  	v28 =	vmul.f32 v59, v28  }
0xeb: {  	vm2 =	vgt.f32 v2, v20;
	vm0 =	vlt.f32 v2, v20  }
0xec: {  	vm0 =	vmor vm2, vm0;
	vm3 =	vle.f32 v28, $5.000000000e-01  }
0xed: {  	vm0 =	vmand vm0, vm3  }
0xee: {  	v28 =	vnsel vm0, $0xFF800000, v58  }
0xef: {  	[tilespmem:$0x51A0] =	vst v28  }
0xf0: {  	v60 =	vld [tilespmem:s10+$0x0]  }
0xf1: {  	v61 =	vld [tilespmem:s10+$0x1400]  }
0xf2: {  	v62 =	vld [tilespmem:s10+$0x2800]  }
0xf3: {  	v63 =	vld [tilespmem:s10+$0x3C00];
	_ =	sdelay $0x3  }
0xf4: {  	v33 =	vld [tilespmem:$0x5030];
	v29 =	vmax.f32 v24, v60  }
0xf5: {  	v30 =	vmax.f32 v23, v61;
	v31 =	vmin.f32 v22, v62;
	v32 =	vmin.f32 v21, v63  }
0xf6: {  	v29 =	vsub.f32 v31, v29;
	v30 =	vsub.f32 v32, v30;
	_ =	sdelay $0x1  }
0xf7: {  	v29 =	vmax.f32 v29, $0.0e+00;
	v30 =	vmax.f32 v30, $0.0e+00  }
0xf8: {  	v36 =	vadd.f32 v33, v25;
	v29 =	vmul.f32 v30, v29;
	_ =	sdelay $0x1  }
0xf9: {  	v30 =	vsub.f32 v36, v29;
	_ =	sdelay $0x1  }
0xfa: {  	v30 =	vadd.f32 $9.999999930e-09, v30;
	_ =	sdelay $0x1  }
0xfb: {  	(erf) = vrcp.f32 v30;
	_ =	sdelay $0x8  }
0xfc: {  	v37 =	vld [tilespmem:$0x51B0];
	v38 =	vpop (erf)  }
0xfd: {  	v29 =	vmul.f32 v38, v29  }
0xfe: {  	vm2 =	vgt.f32 v3, v20;
	vm0 =	vlt.f32 v3, v20  }
0xff: {  	vm0 =	vmor vm2, vm0;
	vm3 =	vle.f32 v29, $5.000000000e-01  }
0x100: {  	vm0 =	vmand vm0, vm3  }
0x101: {  	v29 =	vnsel vm0, $0xFF800000, v37  }
0x102: {  	[tilespmem:$0x51B0] =	vst v29  }
0x103: {  	v39 =	vld [tilespmem:s6+$0x40]  }
0x104: {  	v40 =	vld [tilespmem:s11+$0x1400]  }
0x105: {  	v41 =	vld [tilespmem:s11+$0x2800]  }
0x106: {  	v42 =	vld [tilespmem:s11+$0x3C00];
	_ =	sdelay $0x3  }
0x107: {  	v34 =	vld [tilespmem:$0x5040];
	v30 =	vmax.f32 v24, v39  }
0x108: {  	v31 =	vmax.f32 v23, v40;
	v32 =	vmin.f32 v22, v41;
	v33 =	vmin.f32 v21, v42  }
0x109: {  	v30 =	vsub.f32 v32, v30;
	v31 =	vsub.f32 v33, v31;
	_ =	sdelay $0x1  }
0x10a: {  	v30 =	vmax.f32 v30, $0.0e+00;
	v31 =	vmax.f32 v31, $0.0e+00  }
0x10b: {  	v43 =	vadd.f32 v34, v25;
	v30 =	vmul.f32 v31, v30;
	_ =	sdelay $0x1  }
0x10c: {  	v31 =	vsub.f32 v43, v30;
	_ =	sdelay $0x1  }
0x10d: {  	v31 =	vadd.f32 $9.999999930e-09, v31;
	_ =	sdelay $0x1  }
0x10e: {  	(erf) = vrcp.f32 v31;
	_ =	sdelay $0x8  }
0x10f: {  	v44 =	vld [tilespmem:$0x51C0];
	v45 =	vpop (erf)  }
0x110: {  	v30 =	vmul.f32 v45, v30  }
0x111: {  	vm2 =	vgt.f32 v4, v20;
	vm0 =	vlt.f32 v4, v20  }
0x112: {  	vm0 =	vmor vm2, vm0;
	vm3 =	vle.f32 v30, $5.000000000e-01  }
0x113: {  	vm0 =	vmand vm0, vm3  }
0x114: {  	v30 =	vnsel vm0, $0xFF800000, v44  }
0x115: {  	[tilespmem:$0x51C0] =	vst v30  }
0x116: {  	v46 =	vld [tilespmem:s6+$0x50]  }
0x117: {  	v47 =	vld [tilespmem:s12+$0x1400]  }
0x118: {  	v48 =	vld [tilespmem:s12+$0x2800]  }
0x119: {  	v49 =	vld [tilespmem:s12+$0x3C00];
	_ =	sdelay $0x3  }
0x11a: {  	v35 =	vld [tilespmem:$0x5050];
	v31 =	vmax.f32 v24, v46  }
0x11b: {  	v32 =	vmax.f32 v23, v47;
	v33 =	vmin.f32 v22, v48;
	v34 =	vmin.f32 v21, v49  }
0x11c: {  	v31 =	vsub.f32 v33, v31;
	v32 =	vsub.f32 v34, v32;
	_ =	sdelay $0x1  }
0x11d: {  	v31 =	vmax.f32 v31, $0.0e+00;
	v32 =	vmax.f32 v32, $0.0e+00  }
0x11e: {  	v50 =	vadd.f32 v35, v25;
	v31 =	vmul.f32 v32, v31;
	_ =	sdelay $0x1  }
0x11f: {  	v32 =	vsub.f32 v50, v31;
	_ =	sdelay $0x1  }
0x120: {  	v32 =	vadd.f32 $9.999999930e-09, v32;
	_ =	sdelay $0x1  }
0x121: {  	(erf) = vrcp.f32 v32;
	_ =	sdelay $0x8  }
0x122: {  	v51 =	vld [tilespmem:$0x51D0];
	v52 =	vpop (erf)  }
0x123: {  	v31 =	vmul.f32 v52, v31  }
0x124: {  	vm2 =	vgt.f32 v5, v20;
	vm0 =	vlt.f32 v5, v20  }
0x125: {  	vm0 =	vmor vm2, vm0;
	vm3 =	vle.f32 v31, $5.000000000e-01  }
0x126: {  	vm0 =	vmand vm0, vm3  }
0x127: {  	v31 =	vnsel vm0, $0xFF800000, v51  }
0x128: {  	[tilespmem:$0x51D0] =	vst v31  }
0x129: {  	v53 =	vld [tilespmem:s6+$0x60]  }
0x12a: {  	v54 =	vld [tilespmem:s13+$0x1400]  }
0x12b: {  	v55 =	vld [tilespmem:s13+$0x2800]  }
0x12c: {  	v56 =	vld [tilespmem:s13+$0x3C00];
	_ =	sdelay $0x3  }
0x12d: {  	v36 =	vld [tilespmem:$0x5060];
	v32 =	vmax.f32 v24, v53  }
0x12e: {  	v33 =	vmax.f32 v23, v54;
	v34 =	vmin.f32 v22, v55;
	v35 =	vmin.f32 v21, v56  }
0x12f: {  	v32 =	vsub.f32 v34, v32;
	v33 =	vsub.f32 v35, v33;
	_ =	sdelay $0x1  }
0x130: {  	v32 =	vmax.f32 v32, $0.0e+00;
	v33 =	vmax.f32 v33, $0.0e+00  }
0x131: {  	v57 =	vadd.f32 v36, v25;
	v32 =	vmul.f32 v33, v32;
	_ =	sdelay $0x1  }
0x132: {  	v33 =	vsub.f32 v57, v32;
	_ =	sdelay $0x1  }
0x133: {  	v33 =	vadd.f32 $9.999999930e-09, v33;
	_ =	sdelay $0x1  }
0x134: {  	(erf) = vrcp.f32 v33;
	_ =	sdelay $0x8  }
0x135: {  	v58 =	vld [tilespmem:$0x51E0];
	v59 =	vpop (erf)  }
0x136: {  	v32 =	vmul.f32 v59, v32  }
0x137: {  	vm2 =	vgt.f32 v6, v20;
	vm0 =	vlt.f32 v6, v20  }
0x138: {  	vm0 =	vmor vm2, vm0;
	vm3 =	vle.f32 v32, $5.000000000e-01  }
0x139: {  	vm0 =	vmand vm0, vm3  }
0x13a: {  	v32 =	vnsel vm0, $0xFF800000, v58  }
0x13b: {  	[tilespmem:$0x51E0] =	vst v32  }
0x13c: {  	v60 =	vld [tilespmem:s6+$0x70]  }
0x13d: {  	v61 =	vld [tilespmem:s14+$0x1400]  }
0x13e: {  	v62 =	vld [tilespmem:s14+$0x2800]  }
0x13f: {  	v63 =	vld [tilespmem:s14+$0x3C00];
	_ =	sdelay $0x3  }
0x140: {  	v37 =	vld [tilespmem:$0x5070];
	v33 =	vmax.f32 v24, v60  }
0x141: {  	v34 =	vmax.f32 v23, v61;
	v35 =	vmin.f32 v22, v62;
	v36 =	vmin.f32 v21, v63  }
0x142: {  	v33 =	vsub.f32 v35, v33;
	v34 =	vsub.f32 v36, v34;
	_ =	sdelay $0x1  }
0x143: {  	v33 =	vmax.f32 v33, $0.0e+00;
	v34 =	vmax.f32 v34, $0.0e+00  }
0x144: {  	v37 =	vadd.f32 v37, v25;
	v33 =	vmul.f32 v34, v33;
	_ =	sdelay $0x1  }
0x145: {  	v34 =	vsub.f32 v37, v33;
	_ =	sdelay $0x1  }
0x146: {  	v34 =	vadd.f32 $9.999999930e-09, v34;
	_ =	sdelay $0x1  }
0x147: {  	(erf) = vrcp.f32 v34;
	_ =	sdelay $0x8  }
0x148: {  	v38 =	vld [tilespmem:$0x51F0];
	v39 =	vpop (erf)  }
0x149: {  	v33 =	vmul.f32 v39, v33  }
0x14a: {  	vm2 =	vgt.f32 v7, v20;
	vm0 =	vlt.f32 v7, v20  }
0x14b: {  	vm0 =	vmor vm2, vm0;
	vm3 =	vle.f32 v33, $5.000000000e-01  }
0x14c: {  	vm0 =	vmand vm0, vm3  }
0x14d: {  	v33 =	vnsel vm0, $0xFF800000, v38  }
0x14e: {  	[tilespmem:$0x51F0] =	vst v33  }
0x14f: {  	v40 =	vld [tilespmem:s6+$0x80]  }
0x150: {  	v41 =	vld [tilespmem:s15+$0x1400]  }
0x151: {  	v42 =	vld [tilespmem:s15+$0x2800]  }
0x152: {  	v43 =	vld [tilespmem:s15+$0x3C00];
	_ =	sdelay $0x3  }
0x153: {  	v38 =	vld [tilespmem:$0x5080];
	v34 =	vmax.f32 v24, v40  }
0x154: {  	v35 =	vmax.f32 v23, v41;
	v36 =	vmin.f32 v22, v42;
	v37 =	vmin.f32 v21, v43  }
0x155: {  	v34 =	vsub.f32 v36, v34;
	v35 =	vsub.f32 v37, v35;
	_ =	sdelay $0x1  }
0x156: {  	v34 =	vmax.f32 v34, $0.0e+00;
	v35 =	vmax.f32 v35, $0.0e+00  }
0x157: {  	v44 =	vadd.f32 v38, v25;
	v34 =	vmul.f32 v35, v34;
	_ =	sdelay $0x1  }
0x158: {  	v35 =	vsub.f32 v44, v34;
	_ =	sdelay $0x1  }
0x159: {  	v35 =	vadd.f32 $9.999999930e-09, v35;
	_ =	sdelay $0x1  }
0x15a: {  	(erf) = vrcp.f32 v35;
	_ =	sdelay $0x8  }
0x15b: {  	v45 =	vld [tilespmem:$0x5200];
	v46 =	vpop (erf)  }
0x15c: {  	v34 =	vmul.f32 v46, v34  }
0x15d: {  	vm2 =	vgt.f32 v8, v20;
	vm0 =	vlt.f32 v8, v20  }
0x15e: {  	vm0 =	vmor vm2, vm0;
	vm3 =	vle.f32 v34, $5.000000000e-01  }
0x15f: {  	vm0 =	vmand vm0, vm3  }
0x160: {  	v34 =	vnsel vm0, $0xFF800000, v45  }
0x161: {  	[tilespmem:$0x5200] =	vst v34  }
0x162: {  	v47 =	vld [tilespmem:s6+$0x90]  }
0x163: {  	v48 =	vld [tilespmem:s16+$0x1400]  }
0x164: {  	v49 =	vld [tilespmem:s16+$0x2800]  }
0x165: {  	v50 =	vld [tilespmem:s16+$0x3C00];
	_ =	sdelay $0x3  }
0x166: {  	v39 =	vld [tilespmem:$0x5090];
	v35 =	vmax.f32 v24, v47  }
0x167: {  	v36 =	vmax.f32 v23, v48;
	v37 =	vmin.f32 v22, v49;
	v38 =	vmin.f32 v21, v50  }
0x168: {  	v35 =	vsub.f32 v37, v35;
	v36 =	vsub.f32 v38, v36;
	_ =	sdelay $0x1  }
0x169: {  	v35 =	vmax.f32 v35, $0.0e+00;
	v36 =	vmax.f32 v36, $0.0e+00  }
0x16a: {  	v51 =	vadd.f32 v39, v25;
	v35 =	vmul.f32 v36, v35;
	_ =	sdelay $0x1  }
0x16b: {  	v36 =	vsub.f32 v51, v35;
	_ =	sdelay $0x1  }
0x16c: {  	v36 =	vadd.f32 $9.999999930e-09, v36;
	_ =	sdelay $0x1  }
0x16d: {  	(erf) = vrcp.f32 v36;
	_ =	sdelay $0x8  }
0x16e: {  	v52 =	vld [tilespmem:$0x5210];
	v53 =	vpop (erf)  }
0x16f: {  	v35 =	vmul.f32 v53, v35  }
0x170: {  	vm2 =	vgt.f32 v9, v20;
	vm0 =	vlt.f32 v9, v20  }
0x171: {  	vm0 =	vmor vm2, vm0;
	vm3 =	vle.f32 v35, $5.000000000e-01  }
0x172: {  	vm0 =	vmand vm0, vm3  }
0x173: {  	v35 =	vnsel vm0, $0xFF800000, v52  }
0x174: {  	[tilespmem:$0x5210] =	vst v35  }
0x175: {  	v54 =	vld [tilespmem:s6+$0xA0]  }
0x176: {  	v55 =	vld [tilespmem:s17+$0x1400]  }
0x177: {  	v56 =	vld [tilespmem:s17+$0x2800]  }
0x178: {  	v57 =	vld [tilespmem:s17+$0x3C00];
	_ =	sdelay $0x3  }
0x179: {  	v40 =	vld [tilespmem:$0x50A0];
	v36 =	vmax.f32 v24, v54  }
0x17a: {  	v37 =	vmax.f32 v23, v55;
	v38 =	vmin.f32 v22, v56;
	v39 =	vmin.f32 v21, v57  }
0x17b: {  	v36 =	vsub.f32 v38, v36;
	v37 =	vsub.f32 v39, v37;
	_ =	sdelay $0x1  }
0x17c: {  	v36 =	vmax.f32 v36, $0.0e+00;
	v37 =	vmax.f32 v37, $0.0e+00  }
0x17d: {  	v58 =	vadd.f32 v40, v25;
	v36 =	vmul.f32 v37, v36;
	_ =	sdelay $0x1  }
0x17e: {  	v37 =	vsub.f32 v58, v36;
	_ =	sdelay $0x1  }
0x17f: {  	v37 =	vadd.f32 $9.999999930e-09, v37;
	_ =	sdelay $0x1  }
0x180: {  	(erf) = vrcp.f32 v37;
	_ =	sdelay $0x8  }
0x181: {  	v59 =	vld [tilespmem:$0x5220];
	v60 =	vpop (erf)  }
0x182: {  	v36 =	vmul.f32 v60, v36  }
0x183: {  	vm2 =	vgt.f32 v10, v20;
	vm0 =	vlt.f32 v10, v20  }
0x184: {  	vm0 =	vmor vm2, vm0;
	vm3 =	vle.f32 v36, $5.000000000e-01  }
0x185: {  	vm0 =	vmand vm0, vm3  }
0x186: {  	v36 =	vnsel vm0, $0xFF800000, v59  }
0x187: {  	[tilespmem:$0x5220] =	vst v36  }
0x188: {  	v61 =	vld [tilespmem:s6+$0xB0]  }
0x189: {  	v62 =	vld [tilespmem:s18+$0x1400]  }
0x18a: {  	v63 =	vld [tilespmem:s18+$0x2800]  }
0x18b: {  	v44 =	vld [tilespmem:s18+$0x3C00];
	_ =	sdelay $0x3  }
0x18c: {  	v41 =	vld [tilespmem:$0x50B0];
	v37 =	vmax.f32 v24, v61  }
0x18d: {  	v38 =	vmax.f32 v23, v62;
	v39 =	vmin.f32 v22, v63;
	v40 =	vmin.f32 v21, v44  }
0x18e: {  	v37 =	vsub.f32 v39, v37;
	v38 =	vsub.f32 v40, v38;
	_ =	sdelay $0x1  }
0x18f: {  	v37 =	vmax.f32 v37, $0.0e+00;
	v38 =	vmax.f32 v38, $0.0e+00  }
0x190: {  	v45 =	vadd.f32 v41, v25;
	v37 =	vmul.f32 v38, v37;
	_ =	sdelay $0x1  }
0x191: {  	v38 =	vsub.f32 v45, v37;
	_ =	sdelay $0x1  }
0x192: {  	v38 =	vadd.f32 $9.999999930e-09, v38;
	_ =	sdelay $0x1  }
0x193: {  	(erf) = vrcp.f32 v38;
	_ =	sdelay $0x8  }
0x194: {  	v46 =	vld [tilespmem:$0x5230];
	v47 =	vpop (erf)  }
0x195: {  	v37 =	vmul.f32 v47, v37  }
0x196: {  	vm2 =	vgt.f32 v11, v20;
	vm0 =	vlt.f32 v11, v20  }
0x197: {  	vm0 =	vmor vm2, vm0;
	vm3 =	vle.f32 v37, $5.000000000e-01  }
0x198: {  	vm0 =	vmand vm0, vm3  }
0x199: {  	v37 =	vnsel vm0, $0xFF800000, v46  }
0x19a: {  	[tilespmem:$0x5230] =	vst v37  }
0x19b: {  	v48 =	vld [tilespmem:s6+$0xC0]  }
0x19c: {  	v49 =	vld [tilespmem:s19+$0x1400]  }
0x19d: {  	v50 =	vld [tilespmem:s19+$0x2800]  }
0x19e: {  	v51 =	vld [tilespmem:s19+$0x3C00];
	_ =	sdelay $0x3  }
0x19f: {  	v42 =	vld [tilespmem:$0x50C0];
	v38 =	vmax.f32 v24, v48  }
0x1a0: {  	v39 =	vmax.f32 v23, v49;
	v40 =	vmin.f32 v22, v50;
	v41 =	vmin.f32 v21, v51  }
0x1a1: {  	v38 =	vsub.f32 v40, v38;
	v39 =	vsub.f32 v41, v39;
	_ =	sdelay $0x1  }
0x1a2: {  	v38 =	vmax.f32 v38, $0.0e+00;
	v39 =	vmax.f32 v39, $0.0e+00  }
0x1a3: {  	v52 =	vadd.f32 v42, v25;
	v38 =	vmul.f32 v39, v38;
	_ =	sdelay $0x1  }
0x1a4: {  	v39 =	vsub.f32 v52, v38;
	_ =	sdelay $0x1  }
0x1a5: {  	v39 =	vadd.f32 $9.999999930e-09, v39;
	_ =	sdelay $0x1  }
0x1a6: {  	(erf) = vrcp.f32 v39;
	_ =	sdelay $0x8  }
0x1a7: {  	v53 =	vld [tilespmem:$0x5240];
	v54 =	vpop (erf)  }
0x1a8: {  	v38 =	vmul.f32 v54, v38  }
0x1a9: {  	vm2 =	vgt.f32 v12, v20;
	vm0 =	vlt.f32 v12, v20  }
0x1aa: {  	vm0 =	vmor vm2, vm0;
	vm3 =	vle.f32 v38, $5.000000000e-01  }
0x1ab: {  	vm0 =	vmand vm0, vm3  }
0x1ac: {  	v38 =	vnsel vm0, $0xFF800000, v53  }
0x1ad: {  	[tilespmem:$0x5240] =	vst v38  }
0x1ae: {  	v55 =	vld [tilespmem:s6+$0xD0]  }
0x1af: {  	v56 =	vld [tilespmem:s20+$0x1400]  }
0x1b0: {  	v57 =	vld [tilespmem:s20+$0x2800]  }
0x1b1: {  	v58 =	vld [tilespmem:s20+$0x3C00];
	_ =	sdelay $0x3  }
0x1b2: {  	v43 =	vld [tilespmem:$0x50D0];
	v39 =	vmax.f32 v24, v55  }
0x1b3: {  	v40 =	vmax.f32 v23, v56;
	v41 =	vmin.f32 v22, v57;
	v42 =	vmin.f32 v21, v58  }
0x1b4: {  	v39 =	vsub.f32 v41, v39;
	v40 =	vsub.f32 v42, v40;
	_ =	sdelay $0x1  }
0x1b5: {  	v39 =	vmax.f32 v39, $0.0e+00;
	v40 =	vmax.f32 v40, $0.0e+00  }
0x1b6: {  	v59 =	vadd.f32 v43, v25;
	v39 =	vmul.f32 v40, v39;
	_ =	sdelay $0x1  }
0x1b7: {  	v40 =	vsub.f32 v59, v39;
	_ =	sdelay $0x1  }
0x1b8: {  	v40 =	vadd.f32 $9.999999930e-09, v40;
	_ =	sdelay $0x1  }
0x1b9: {  	(erf) = vrcp.f32 v40;
	_ =	sdelay $0x8  }
0x1ba: {  	v60 =	vld [tilespmem:$0x5250];
	v61 =	vpop (erf)  }
0x1bb: {  	v39 =	vmul.f32 v61, v39  }
0x1bc: {  	vm2 =	vgt.f32 v13, v20;
	vm0 =	vlt.f32 v13, v20  }
0x1bd: {  	vm0 =	vmor vm2, vm0;
	vm3 =	vle.f32 v39, $5.000000000e-01  }
0x1be: {  	vm0 =	vmand vm0, vm3  }
0x1bf: {  	v39 =	vnsel vm0, $0xFF800000, v60  }
0x1c0: {  	[tilespmem:$0x5250] =	vst v39  }
0x1c1: {  	v62 =	vld [tilespmem:s6+$0xE0]  }
0x1c2: {  	v63 =	vld [tilespmem:s21+$0x1400]  }
0x1c3: {  	v48 =	vld [tilespmem:s21+$0x2800]  }
0x1c4: {  	v49 =	vld [tilespmem:s21+$0x3C00];
	_ =	sdelay $0x3  }
0x1c5: {  	v44 =	vld [tilespmem:$0x50E0];
	v40 =	vmax.f32 v24, v62  }
0x1c6: {  	v41 =	vmax.f32 v23, v63;
	v42 =	vmin.f32 v22, v48;
	v43 =	vmin.f32 v21, v49  }
0x1c7: {  	v40 =	vsub.f32 v42, v40;
	v41 =	vsub.f32 v43, v41;
	_ =	sdelay $0x1  }
0x1c8: {  	v40 =	vmax.f32 v40, $0.0e+00;
	v41 =	vmax.f32 v41, $0.0e+00  }
0x1c9: {  	v50 =	vadd.f32 v44, v25;
	v40 =	vmul.f32 v41, v40;
	_ =	sdelay $0x1  }
0x1ca: {  	v41 =	vsub.f32 v50, v40;
	_ =	sdelay $0x1  }
0x1cb: {  	v41 =	vadd.f32 $9.999999930e-09, v41;
	_ =	sdelay $0x1  }
0x1cc: {  	(erf) = vrcp.f32 v41;
	_ =	sdelay $0x8  }
0x1cd: {  	v51 =	vld [tilespmem:$0x5260];
	v52 =	vpop (erf)  }
0x1ce: {  	v40 =	vmul.f32 v52, v40  }
0x1cf: {  	vm2 =	vgt.f32 v14, v20;
	vm0 =	vlt.f32 v14, v20  }
0x1d0: {  	vm0 =	vmor vm2, vm0;
	vm3 =	vle.f32 v40, $5.000000000e-01  }
0x1d1: {  	vm0 =	vmand vm0, vm3  }
0x1d2: {  	v40 =	vnsel vm0, $0xFF800000, v51  }
0x1d3: {  	[tilespmem:$0x5260] =	vst v40  }
0x1d4: {  	v53 =	vld [tilespmem:s6+$0xF0]  }
0x1d5: {  	v54 =	vld [tilespmem:s22+$0x1400]  }
0x1d6: {  	v55 =	vld [tilespmem:s22+$0x2800]  }
0x1d7: {  	v56 =	vld [tilespmem:s22+$0x3C00];
	_ =	sdelay $0x3  }
0x1d8: {  	v45 =	vld [tilespmem:$0x50F0];
	v41 =	vmax.f32 v24, v53  }
0x1d9: {  	v42 =	vmax.f32 v23, v54;
	v43 =	vmin.f32 v22, v55;
	v44 =	vmin.f32 v21, v56  }
0x1da: {  	v41 =	vsub.f32 v43, v41;
	v42 =	vsub.f32 v44, v42;
	_ =	sdelay $0x1  }
0x1db: {  	v41 =	vmax.f32 v41, $0.0e+00;
	v42 =	vmax.f32 v42, $0.0e+00  }
0x1dc: {  	v57 =	vadd.f32 v45, v25;
	v41 =	vmul.f32 v42, v41;
	_ =	sdelay $0x1  }
0x1dd: {  	v42 =	vsub.f32 v57, v41;
	_ =	sdelay $0x1  }
0x1de: {  	v42 =	vadd.f32 $9.999999930e-09, v42;
	_ =	sdelay $0x1  }
0x1df: {  	(erf) = vrcp.f32 v42;
	_ =	sdelay $0x8  }
0x1e0: {  	v58 =	vld [tilespmem:$0x5270];
	v59 =	vpop (erf)  }
0x1e1: {  	v41 =	vmul.f32 v59, v41  }
0x1e2: {  	vm2 =	vgt.f32 v15, v20;
	vm0 =	vlt.f32 v15, v20  }
0x1e3: {  	vm0 =	vmor vm2, vm0;
	vm3 =	vle.f32 v41, $5.000000000e-01  }
0x1e4: {  	vm0 =	vmand vm0, vm3  }
0x1e5: {  	v41 =	vnsel vm0, $0xFF800000, v58  }
0x1e6: {  	[tilespmem:$0x5270] =	vst v41  }
0x1e7: {  	v60 =	vld [tilespmem:s6+$0x100]  }
0x1e8: {  	v61 =	vld [tilespmem:s23+$0x1400]  }
0x1e9: {  	v62 =	vld [tilespmem:s23+$0x2800]  }
0x1ea: {  	v63 =	vld [tilespmem:s23+$0x3C00];
	_ =	sdelay $0x3  }
0x1eb: {  	v46 =	vld [tilespmem:$0x5100];
	v42 =	vmax.f32 v24, v60  }
0x1ec: {  	v43 =	vmax.f32 v23, v61;
	v44 =	vmin.f32 v22, v62;
	v45 =	vmin.f32 v21, v63  }
0x1ed: {  	v42 =	vsub.f32 v44, v42;
	v43 =	vsub.f32 v45, v43;
	_ =	sdelay $0x1  }
0x1ee: {  	v42 =	vmax.f32 v42, $0.0e+00;
	v43 =	vmax.f32 v43, $0.0e+00  }
0x1ef: {  	v48 =	vadd.f32 v46, v25;
	v42 =	vmul.f32 v43, v42;
	_ =	sdelay $0x1  }
0x1f0: {  	v43 =	vsub.f32 v48, v42;
	_ =	sdelay $0x1  }
0x1f1: {  	v43 =	vadd.f32 $9.999999930e-09, v43;
	_ =	sdelay $0x1  }
0x1f2: {  	(erf) = vrcp.f32 v43;
	_ =	sdelay $0x8  }
0x1f3: {  	v49 =	vld [tilespmem:$0x5280];
	v50 =	vpop (erf)  }
0x1f4: {  	v42 =	vmul.f32 v50, v42  }
0x1f5: {  	vm2 =	vgt.f32 v16, v20;
	vm0 =	vlt.f32 v16, v20  }
0x1f6: {  	vm0 =	vmor vm2, vm0;
	vm3 =	vle.f32 v42, $5.000000000e-01  }
0x1f7: {  	vm0 =	vmand vm0, vm3  }
0x1f8: {  	v42 =	vnsel vm0, $0xFF800000, v49  }
0x1f9: {  	[tilespmem:$0x5280] =	vst v42  }
0x1fa: {  	v51 =	vld [tilespmem:s6+$0x110]  }
0x1fb: {  	v52 =	vld [tilespmem:s24+$0x1400]  }
0x1fc: {  	v53 =	vld [tilespmem:s24+$0x2800]  }
0x1fd: {  	v54 =	vld [tilespmem:s24+$0x3C00];
	_ =	sdelay $0x3  }
0x1fe: {  	v47 =	vld [tilespmem:$0x5110];
	v43 =	vmax.f32 v24, v51  }
0x1ff: {  	v44 =	vmax.f32 v23, v52;
	v45 =	vmin.f32 v22, v53;
	v46 =	vmin.f32 v21, v54  }
0x200: {  	v43 =	vsub.f32 v45, v43;
	v44 =	vsub.f32 v46, v44;
	_ =	sdelay $0x1  }
0x201: {  	v43 =	vmax.f32 v43, $0.0e+00;
	v44 =	vmax.f32 v44, $0.0e+00  }
0x202: {  	v55 =	vadd.f32 v47, v25;
	v43 =	vmul.f32 v44, v43;
	_ =	sdelay $0x1  }
0x203: {  	v44 =	vsub.f32 v55, v43;
	_ =	sdelay $0x1  }
0x204: {  	v44 =	vadd.f32 $9.999999930e-09, v44;
	_ =	sdelay $0x1  }
0x205: {  	(erf) = vrcp.f32 v44;
	_ =	sdelay $0x8  }
0x206: {  	v56 =	vld [tilespmem:$0x5290];
	v57 =	vpop (erf)  }
0x207: {  	v43 =	vmul.f32 v57, v43  }
0x208: {  	vm2 =	vgt.f32 v17, v20;
	vm0 =	vlt.f32 v17, v20  }
0x209: {  	vm0 =	vmor vm2, vm0;
	vm3 =	vle.f32 v43, $5.000000000e-01  }
0x20a: {  	vm0 =	vmand vm0, vm3  }
0x20b: {  	v58 =	vnsel vm0, $0xFF800000, v56  }
0x20c: {  	[tilespmem:$0x5290] =	vst v58  }
0x20d: {  	v59 =	vld [tilespmem:s6+$0x120]  }
0x20e: {  	v60 =	vld [tilespmem:s25+$0x1400]  }
0x20f: {  	v61 =	vld [tilespmem:s25+$0x2800]  }
0x210: {  	v62 =	vld [tilespmem:s25+$0x3C00];
	_ =	sdelay $0x3  }
0x211: {  	v48 =	vld [tilespmem:$0x5120];
	v44 =	vmax.f32 v24, v59  }
0x212: {  	v45 =	vmax.f32 v23, v60;
	v46 =	vmin.f32 v22, v61;
	v47 =	vmin.f32 v21, v62  }
0x213: {  	v44 =	vsub.f32 v46, v44;
	v45 =	vsub.f32 v47, v45;
	_ =	sdelay $0x1  }
0x214: {  	v44 =	vmax.f32 v44, $0.0e+00;
	v45 =	vmax.f32 v45, $0.0e+00  }
0x215: {  	v63 =	vadd.f32 v48, v25;
	v44 =	vmul.f32 v45, v44;
	_ =	sdelay $0x1  }
0x216: {  	v45 =	vsub.f32 v63, v44;
	_ =	sdelay $0x1  }
0x217: {  	v45 =	vadd.f32 $9.999999930e-09, v45;
	_ =	sdelay $0x1  }
0x218: {  	(erf) = vrcp.f32 v45;
	_ =	sdelay $0x8  }
0x219: {  	v48 =	vld [tilespmem:$0x52A0];
	vm2 =	vgt.f32 v26, $-Inf;
	vm0 =	vlt.f32 v26, $-Inf;
	v49 =	vpop (erf)  }
0x21a: {  	vm6 =	vmor vm2, vm0;
	v44 =	vmul.f32 v49, v44  }
0x21b: {  	vm0 =	vlt.f32 v18, v20;
	vm2 =	vgt.f32 v18, v20;
	v26 =	vnsel vm6, $0xFF800000, v26  }
0x21c: {  	vm0 =	vmor vm2, vm0;
	vm8 =	vgt.f32 v27, v26;
	vm3 =	vle.f32 v44, $5.000000000e-01  }
0x21d: {  	v26 =	vsel vm8, v27, v26;
	vm0 =	vmand vm0, vm3  }
0x21e: {  	vm9 =	vgt.f32 v28, v26;
	v27 =	vnsel vm0, $0xFF800000, v48  }
0x21f: {  	v26 =	vsel vm9, v28, v26;
	[tilespmem:$0x52A0] =	vst v27  }
0x220: {  	vm10 =	vgt.f32 v29, v26;
	v50 =	vld [tilespmem:s6+$0x130]  }
0x221: {  	v26 =	vsel vm10, v29, v26;
	v51 =	vld [tilespmem:s26+$0x1400]  }
0x222: {  	vm13 =	vgt.f32 v30, v26;
	v52 =	vld [tilespmem:s26+$0x2800]  }
0x223: {  	v26 =	vsel vm13, v30, v26;
	v53 =	vld [tilespmem:s26+$0x3C00]  }
0x224: {  	vm14 =	vgt.f32 v31, v26  }
0x225: {  	v26 =	vsel vm14, v31, v26  }
0x226: {  	vm7 =	vgt.f32 v32, v26  }
0x227: {  	v54 =	vld [tilespmem:$0x5130];
	v26 =	vsel vm7, v32, v26;
	v24 =	vmax.f32 v24, v50  }
0x228: {  	v23 =	vmax.f32 v23, v51;
	v22 =	vmin.f32 v22, v52;
	v21 =	vmin.f32 v21, v53  }
0x229: {  	vm12 =	vgt.f32 v33, v26;
	v22 =	vsub.f32 v22, v24;
	v21 =	vsub.f32 v21, v23  }
0x22a: {  	v23 =	vsel vm12, v33, v26  }
0x22b: {  	vm11 =	vgt.f32 v34, v23;
	v22 =	vmax.f32 v22, $0.0e+00;
	v21 =	vmax.f32 v21, $0.0e+00  }
0x22c: {  	v23 =	vsel vm11, v34, v23;
	v21 =	vmul.f32 v21, v22;
	v22 =	vadd.f32 v54, v25  }
0x22d: {  	vm15 =	vgt.f32 v35, v23  }
0x22e: {  	v23 =	vsel vm15, v35, v23;
	v22 =	vsub.f32 v22, v21  }
0x22f: {  	vm0 =	vgt.f32 v36, v23  }
0x230: {  	v23 =	vsel vm0, v36, v23;
	v22 =	vadd.f32 $9.999999930e-09, v22  }
0x231: {  	vm2 =	vgt.f32 v37, v23  }
0x232: {  	v23 =	vsel vm2, v37, v23;
	(erf) = vrcp.f32 v22  }
0x233: {  	vm3 =	vgt.f32 v38, v23  }
0x234: {  	v22 =	vsel vm3, v38, v23  }
0x235: {  	vm4 =	vgt.f32 v39, v22  }
0x236: {  	v22 =	vsel vm4, v39, v22  }
0x237: {  	v23 =	vnsel vm6, $0x0, v0;
	vm6 =	vgt.f32 v40, v22  }
0x238: {  	v23 =	vsel vm8, v1, v23;
	v22 =	vsel vm6, v40, v22  }
0x239: {  	v23 =	vsel vm9, v2, v23;
	vm8 =	vgt.f32 v41, v22  }
0x23a: {  	v23 =	vsel vm10, v3, v23;
	v22 =	vsel vm8, v41, v22  }
0x23b: {  	v24 =	vld [tilespmem:$0x52B0];
	v23 =	vsel vm13, v4, v23;
	vm9 =	vgt.f32 v42, v22;
	v25 =	vpop (erf)  }
0x23c: {  	vm13 =	vlt.f32 v19, v20;
	v22 =	vsel vm9, v42, v22;
	v21 =	vmul.f32 v25, v21  }
0x23d: {  	v23 =	vsel vm14, v5, v23;
	vm14 =	vgt.f32 v19, v20;
	vm10 =	vgt.f32 v58, v22  }
0x23e: {  	vm13 =	vmor vm14, vm13;
	v20 =	vsel vm10, v58, v22;
	vm14 =	vle.f32 v21, $5.000000000e-01  }
0x23f: {  	v21 =	vsel vm7, v6, v23;
	vm7 =	vmand vm13, vm14;
	vm13 =	vgt.f32 v27, v20  }
0x240: {  	v21 =	vsel vm12, v7, v21;
	v22 =	vnsel vm7, $0xFF800000, v24;
	v20 =	vsel vm13, v27, v20  }
0x241: {  	v21 =	vsel vm11, v8, v21;
	vm7 =	vgt.f32 v22, v20  }
0x242: {  	v21 =	vsel vm15, v9, v21;
	v20 =	vsel vm7, v22, v20  }
0x243: {  	v21 =	vsel vm0, v10, v21;
	(xrf0) =	vmax.scan.msk.f32 $0xffff, v20  }
0x244: {  	v21 =	vsel vm2, v11, v21  }
0x245: {  	v21 =	vsel vm3, v12, v21  }
0x246: {  	v21 =	vsel vm4, v13, v21  }
0x247: {  	v21 =	vsel vm6, v14, v21  }
0x248: {  	v21 =	vsel vm8, v15, v21  }
0x249: {  	v21 =	vsel vm9, v16, v21;
	v23, _, _ =	vpop (xrf0)  }
0x24a: {  	v21 =	vsel vm10, v17, v21;
	v23 =	vbroadcast v23, $0xF  }
0x24b: {  	v21 =	vsel vm13, v18, v21  }
0x24c: {  	v21 =	vsel vm7, v19, v21;
	vm0 =	veq.f32 v20, v23  }
0x24d: {  	v20 =	vnsel vm0, $0x7F61B1E6, v21  }
0x24e: {  	(xrf0) =	vmin.scan.msk.f32 $0xffff, v20;
	_ =	sdelay $0x5  }
0x24f: {  	v20, _, _ =	vpop (xrf0)  }
0x250: {  	v20 =	vbroadcast v20, $0xF  }
0x251: {  	s31 =	rddreg [dreg:$0x3];
	s5 =	sand.u32 $0x200, s30;
	[tilespmem:$0x52B0] =	vst v22;
	v21 =	vnsel vm1, $0xFF800000, v23  }
0x252: {  	s0 =	rddreg [dreg:$0x4];
	s5 =	sadd.s32 s5, s31;
	[tilespmem:$0x5300] =	vst v21;
	v20 =	vnsel vm1, $0x0, v20  }
0x253: {  	s28 =	rddreg [dreg:$0x5];
	s0 =	sadd.s32 s0, s5;
	[tilespmem:$0x5310] =	vst v20  }
0x254: {  	[spmem:s0] =	stream.linear.scatter [tilespmem:s28], [sflag:$0x1], $0x20, $0x38;
	[tilespmem:$0x5C40] =	vst v63  }
0x255: {  	_ =	swait.ge [sflag:s2], $0x20  }
0x256: {  	[sflag:s2] =	ssyncset.done $0x0  }
0x257: {  	[sflag:s2] =	ssyncadd.s32 $0xFFFFFFE0  }
0x258: {  	[bflag:$0x0] =	sbarrier.arrive $0xFFFF  }
0x259: {  	s28 =	rddreg [dreg:$0x6]  }
0x25a: {  	[tilespmem:s28], [sflag:$0x1] =	stream.linear.gather [spmem:s5], $0x200, $0x38;
	[tilespmem:$0x5C40] =	vst v63  }
0x25b: {  	_ =	swait.ge [sflag:s2], $0x200  }
0x25c: {  	[sflag:s2] =	ssyncset.done $0x0  }
0x25d: {  	[sflag:s2] =	ssyncadd.s32 $0xFFFFFE00  }
0x25e: {  	v20 =	vld [tilespmem:$0x5380]  }
0x25f: {  	v21 =	vld [tilespmem:$0x5390]  }
0x260: {  	v22 =	vld [tilespmem:$0x53A0]  }
0x261: {  	v23 =	vld [tilespmem:$0x53B0]  }
0x262: {  	v24 =	vld [tilespmem:$0x53C0]  }
0x263: {  	v25 =	vld [tilespmem:$0x53D0]  }
0x264: {  	v26 =	vld [tilespmem:$0x53E0]  }
0x265: {  	v27 =	vld [tilespmem:$0x53F0]  }
0x266: {  	v55 =	vld [tilespmem:$0x5400]  }
0x267: {  	v56 =	vld [tilespmem:$0x5410]  }
0x268: {  	v57 =	vld [tilespmem:$0x5420]  }
0x269: {  	v58 =	vld [tilespmem:$0x5430]  }
0x26a: {  	v20 =	vmax.f32 v20, v22;
	v22 =	vld [tilespmem:$0x5440]  }
0x26b: {  	v20 =	vmax.f32 v20, v24;
	v24 =	vld [tilespmem:$0x5460]  }
0x26c: {  	v20 =	vmax.f32 v20, v26;
	v26 =	vld [tilespmem:$0x5480]  }
0x26d: {  	v59 =	vld [tilespmem:$0x54A0];
	v20 =	vmax.f32 v20, v55  }
0x26e: {  	v60 =	vld [tilespmem:$0x54C0];
	v20 =	vmax.f32 v20, v57  }
0x26f: {  	v20 =	vmax.f32 v20, v22;
	v22 =	vld [tilespmem:$0x54E0]  }
0x270: {  	v20 =	vmax.f32 v20, v24;
	v24 =	vld [tilespmem:$0x5500]  }
0x271: {  	v20 =	vmax.f32 v20, v26;
	v26 =	vld [tilespmem:$0x5520]  }
0x272: {  	v61 =	vld [tilespmem:$0x5540];
	v20 =	vmax.f32 v20, v59  }
0x273: {  	v62 =	vld [tilespmem:$0x5560];
	v21 =	vmax.f32 v21, $0.0e+00;
	v20 =	vmax.f32 v20, v60  }
0x274: {  	v21 =	vmax.f32 v21, v23;
	v23 =	vld [tilespmem:$0x5450];
	v20 =	vmax.f32 v20, v22  }
0x275: {  	v21 =	vmax.f32 v21, v25;
	v22 =	vld [tilespmem:$0x5470];
	v20 =	vmax.f32 v20, v24  }
0x276: {  	v21 =	vmax.f32 v21, v27;
	v24 =	vld [tilespmem:$0x5490];
	v20 =	vmax.f32 v20, v26  }
0x277: {  	v25 =	vld [tilespmem:$0x54B0];
	v21 =	vmax.f32 v21, v56;
	v20 =	vmax.f32 v20, v61  }
0x278: {  	v21 =	vmax.f32 v21, v58;
	v26 =	vld [tilespmem:$0x54D0];
	v20 =	vmax.f32 v20, v62  }
0x279: {  	v21 =	vmax.f32 v21, v23;
	v23 =	vld [tilespmem:$0x54F0];
	(xrf0) =	vmax.scan.msk.f32 $0xffff, v20  }
0x27a: {  	v21 =	vmax.f32 v21, v22;
	v22 =	vld [tilespmem:$0x5510]  }
0x27b: {  	v21 =	vmax.f32 v21, v24;
	v24 =	vld [tilespmem:$0x5530]  }
0x27c: {  	v21 =	vmax.f32 v21, v25;
	v25 =	vld [tilespmem:$0x5550]  }
0x27d: {  	v21 =	vmax.f32 v21, v26;
	v26 =	vld [tilespmem:$0x5570]  }
0x27e: {  	v21 =	vmax.f32 v21, v23  }
0x27f: {  	v21 =	vmax.f32 v21, v22;
	v22, _, _ =	vpop (xrf0)  }
0x280: {  	v21 =	vmax.f32 v21, v24;
	v23 =	vbroadcast v22, $0xF  }
0x281: {  	v21 =	vmax.f32 v21, v25  }
0x282: {  	v21 =	vmax.f32 v21, v26;
	vm0 =	veq.f32 v20, v23  }
0x283: {  	v20 =	vnsel vm0, $0x7F61B1E6, v21  }
0x284: {  	(v2sf) =	vpush v22, $0xF;
	(xrf0) =	vmin.scan.msk.f32 $0xffff, v20;
	_ =	sdelay $0x5  }
0x285: {  	v20, _, _ =	vpop (xrf0)  }
0x286: {  	v20 =	vbroadcast v20, $0xF;
	_ =	sdelay $0x1  }
0x287: {  	v21 =	vtrunc.f32 v20  }
0x288: {  	v24 =	vcvt.f32.s32 v21;
	_ =	sdelay $0x4  }
0x289: {  	s31 =	spop (v2sf)  }
0x28a: {  	p0 =	sgt.f32 s31, $-3.000000010e+38;
	v21 =	vld.idx.msk [tilespmem:v24+s7+$0x0], $0xffff  }
0x28b: {  	s5 =	rddreg [dreg:$0x7];
	v22 =	vld.idx.msk [tilespmem:v24+s4+$0x0], $0xffff  }
0x28c: {  	s5 =	simm.s32 @!p0 $0x0;
	v23 =	vld.idx.msk [tilespmem:v24+s3+$0x0], $0xffff  }
0x28d: {  	s0 =	smul.f32 s5, s31;
	v24 =	vld.idx.msk [tilespmem:v24+s1+$0x0], $0xffff;
	_ =	sdelay $0x1  }
0x28e: {  	vm0 =	vcmask $0x1714;
	v25 =	vmov s0;
	v26 =	vmul.f32 s5, v21  }
0x28f: {  	p0 =	sne.s32 s30, $0xC600;
	v25 =	vnsel vm0, $0x0, v25;
	vm0 =	vcmask $0x3F10;
	v27 =	vmul.f32 s5, v22  }
.Ltmp0:
0x290: {  	v63 =	vmul.f32 s5, v23;
	v25 =	vsel vm0, v25, v26;
	vm0 =	vcmask $0x3F0C;
	(pc) =	sbr.rel @p0 .LBB2_1-.Ltmp0, $4  }
0x291: {  	v26 =	vmul.f32 s5, v24;
	v25 =	vsel vm0, v25, v27;
	vm0 =	vcmask $0x3F08  }
0x292: {  	v25 =	vsel vm0, v25, v63  }
0x293: {  	v25 =	vsel vm5, v26, v25  }
0x294: {  	s30 =	sadd.s32 $0x200, s30;
	[tilespmem:s29+$0x0] =	vst v25;
	s29 =	sadd.s32 $0x10, s29  }
0x295: {  	s0 =	stileid.u32  }
0x296: {  	p0 =	sne.s32 s0, $0x0  }
0x297: {  	_ =	sfence.sel @p0 $0x180000  }
0x298: {  	[bflag:$0x0] =	sbarrier.arrive @p0 $0xFFFF  }
0x299: {  	_ =	strace @p0 $0x90000047  }
0x29a: {  	[bflag:$0x2] =	sbarrier.arrive @p0 $0xFFFF  }
0x29b: {  	s0 =	simm.s32 @!p0 $0x0;
	s1 =	simm.s32 @!p0 $0x5580;
	s2 =	rddreg [dreg:$0x8]  }
0x29c: {  	[hbm4b:s2+s0] =	stream.linear.scatter @!p0 [tilespmem:s1], [sflag:$0x1], $0x680, $0x38;
	[tilespmem:$0x5C40] =	vst v63  }
0x29d: {  	s0 =	simm.s32 @!p0 $0x1  }
0x29e: {  	_ =	swait.ge @!p0 [sflag:s0], $0x680  }
0x29f: {  	[sflag:s0] =	ssyncset.done @!p0 $0x0  }
0x2a0: {  	[sflag:s0] =	ssyncadd.s32 @!p0 $0xFFFFF980  }
0x2a1: {  	_ =	sfence.sel @!p0 $0x180000  }
0x2a2: {  	[bflag:$0x0] =	sbarrier.arrive @!p0 $0xFFFF  }
0x2a3: {  	_ =	strace @!p0 $0x90000047  }
0x2a4: {  	[bflag:$0x2] =	sbarrier.arrive @!p0 $0xFFFF  }
0x2a5: {  	s0 =	rddreg [dreg:$0x2]  }
0x2a6: {  	s0 =	sadd.s32 @!p0 $0x100000, s0  }
0x2a7: {  	[sflag:s0] =	ssyncadd.tile.s32 @!p0 $0x1;
	_ =	shalt  }
.Lfunc_end2:
_tile_overlayer_lowered:
.L_overlay_start_2:
0x2a8: {  	(tag) =	ssettag $0x2  }
0x2a9: {  	s0 =	rddreg [dreg:$0x0];
	s2 =	stileid.u32  }
0x2aa: {  	s1 =	rddreg [dreg:$0x1];
	p0 =	sne.s32 s2, $0x0  }
0x2ab: {  	s3 =	rddreg [dreg:$0x2];
	[bflag:$0x3] =	sbarrier.arrive $0xFFFF;
	s2 =	simm.s32 @!p0 $0x1C01  }
0x2ac: {  	[timem:s3], [sflag:s2] =	dma.local @!p0 [hbm:s0], s1  }
0x2ad: {  	s0 =	simm.s32 @!p0 $0x1  }
0x2ae: {  	_ =	swait.ge @!p0 [sflag:s0], s1  }
0x2af: {  	s1 =	ssub.s32 @!p0 $0x0, s1;
	[sflag:s0] =	ssyncset.done @!p0 $0x0  }
0x2b0: {  	[sflag:s0] =	ssyncadd.s32 @!p0 s1  }
0x2b1: {  	[bflag:$0x3] =	sbarrier.arrive $0xFFFF  }
0x2b2: {  	_ =	shalt  }

</sc_bundles>
